<compile_context>
chip_gen: v7x
topology: tpu7x:2x2x1
jax: 0.10.2.dev20260603
libtpu: 0.0.44.dev20260713+nightly
codegen_flags: <defaults>
</compile_context>

<pallas_src>
import functools

import jax
import jax.numpy as jnp
from jax import lax
from jax.experimental import pallas as pl
from jax.experimental.pallas import tpu as pltpu
from jax.experimental.pallas import tpu_sc as plsc

_L = 16
_D = 64
_SEQ = 200
_NCH = _D // _L
_NW = 32
_NACT = 25
_KG = 8
_W = 128
_SLAB = 128
_NBUF = 6


def _gather_body(idx_hbm, embt_hbm, part_hbm, idx_v, bufs_v, acc_v,
                 sem0, sem1, sem2, sem3, sem4, sem5):
    c = lax.axis_index("c")
    s = lax.axis_index("s")
    wid = s * 2 + c
    sems = (sem0, sem1, sem2, sem3, sem4, sem5)

    @pl.when(wid < _NACT)
    def _():
        _gather_tile(idx_hbm, embt_hbm, part_hbm, idx_v, bufs_v, acc_v,
                     sems, wid)


def _gather_tile(idx_hbm, embt_hbm, part_hbm, idx_v, bufs_v, acc_v,
                 sems, wid):
    pltpu.sync_copy(idx_hbm.at[pl.ds(wid * _KG, _KG)],
                    idx_v.at[pl.ds(0, _KG)])
    chunk = idx_v[...]

    starts = []
    lanes = []
    for i in range(_KG):
        r = chunk[i]
        st = (r // _W) * _W
        starts.append(st)
        lanes.append(r - st)

    def issue(i):
        return pltpu.async_copy(
            embt_hbm.at[:, pl.ds(starts[i], _W)],
            bufs_v.at[i % _NBUF], sems[i % _NBUF])

    cps = [issue(i) for i in range(_NBUF - 1)]
    accs = [None] * _NCH
    for i in range(_KG):
        if i + _NBUF - 1 < _KG:
            cps.append(issue(i + _NBUF - 1))
        cps[i].wait()
        buf = bufs_v.at[i % _NBUF]
        col = jnp.full((_L,), lanes[i], jnp.int32)
        for d in range(_NCH):
            row = lax.iota(jnp.int32, _L) + (d * _L)
            v = plsc.load_gather(buf, [row, col])
            accs[d] = v if accs[d] is None else jnp.maximum(accs[d], v)

    for d in range(_NCH):
        acc_v[pl.ds(d * _L, _L)] = accs[d]
    pltpu.sync_copy(acc_v, part_hbm.at[pl.ds(wid * _SLAB, _SLAB)])


def _reduce_body(part_hbm, w_hbm, b_hbm, out_hbm, part_v, w_v, b_v, out_v):
    c = lax.axis_index("c")
    s = lax.axis_index("s")

    @pl.when(jnp.logical_and(c == 0, s == 0))
    def _():
        pltpu.sync_copy(part_hbm, part_v)
        pltpu.sync_copy(w_hbm, w_v)
        pltpu.sync_copy(b_hbm, b_v.at[pl.ds(0, 2)])

        pooled = []
        for d in range(_NCH):
            vals = [part_v[pl.ds(t * _SLAB + d * _L, _L)]
                    for t in range(_NACT)]
            while len(vals) > 1:
                nxt = [jnp.maximum(vals[k], vals[k + 1])
                       for k in range(0, len(vals) - 1, 2)]
                if len(vals) % 2:
                    nxt.append(vals[-1])
                vals = nxt
            pooled.append(vals[0])

        lane = lax.iota(jnp.int32, _L)
        vec = jnp.zeros((_L,), jnp.float32)
        for j in range(2):
            psum = jnp.zeros((_L,), jnp.float32)
            for d in range(_NCH):
                psum = psum + pooled[d] * w_v[j, pl.ds(d * _L, _L)]
            t = psum[0]
            for i in range(1, _L):
                t = t + psum[i]
            vec = jnp.where(lane == j, t, vec)
        out_v[...] = vec + b_v[...]
        pltpu.sync_copy(out_v.at[pl.ds(0, 2)], out_hbm.at[0])


_mesh = plsc.VectorSubcoreMesh(core_axis_name="c", subcore_axis_name="s",
                               num_cores=2, num_subcores=16)
_mesh1 = plsc.VectorSubcoreMesh(core_axis_name="c", subcore_axis_name="s",
                                num_cores=1, num_subcores=16)

_gather = functools.partial(
    pl.kernel,
    out_type=jax.ShapeDtypeStruct((_NACT * _SLAB,), jnp.float32),
    mesh=_mesh,
    compiler_params=pltpu.CompilerParams(needs_layout_passes=False, skip_device_barrier=True),
    scratch_types=[
        pltpu.VMEM((_L,), jnp.int32),
        pltpu.VMEM((_NBUF, _D, _W), jnp.float32),
        pltpu.VMEM((_SLAB,), jnp.float32),
        pltpu.SemaphoreType.DMA,
        pltpu.SemaphoreType.DMA,
        pltpu.SemaphoreType.DMA,
        pltpu.SemaphoreType.DMA,
        pltpu.SemaphoreType.DMA,
        pltpu.SemaphoreType.DMA,
    ],
)(_gather_body)

_reduce = functools.partial(
    pl.kernel,
    out_type=jax.ShapeDtypeStruct((1, 2), jnp.float32),
    mesh=_mesh1,
    compiler_params=pltpu.CompilerParams(needs_layout_passes=False, skip_device_barrier=True),
    scratch_types=[
        pltpu.VMEM((_NACT * _SLAB,), jnp.float32),
        pltpu.VMEM((2, _D), jnp.float32),
        pltpu.VMEM((_L,), jnp.float32),
        pltpu.VMEM((_L,), jnp.float32),
    ],
)(_reduce_body)


@jax.jit
def kernel(x, emb, W, b):
    idx = x.reshape(-1).astype(jnp.int32)
    part = _gather(idx, emb.T)
    return _reduce(part, W.astype(jnp.float32), b.astype(jnp.float32))

# --- scband reference (transcript-rebuilt; emitter-appended) ---
"""Pipeline reference for scband-cnn-text-66726611910983 (READ-ONLY COPY).

The authoritative reference and input builder live on the scoring server;
editing this copy changes nothing except your own understanding.
"""

import jax, jax.numpy as jnp
import numpy as np

EMBED_NUM = 1000000
EMBED_DIM = 64
LABEL_SIZE = 2
SEQ_LEN = 200

def setup_inputs(seed: int = 0) -> dict:
    key = jax.random.key(seed)
    k1, k2, k3 = jax.random.split(key, 3)
    x = jax.random.randint(k1, (1, SEQ_LEN), 0, EMBED_NUM, dtype=jnp.int64 if jax.config.jax_enable_x64 else jnp.int32)
    emb = jax.random.normal(k2, (EMBED_NUM, EMBED_DIM), dtype=jnp.float32)
    W = jax.random.normal(k3, (LABEL_SIZE, EMBED_DIM), dtype=jnp.float32) * 0.05
    b = jnp.zeros((LABEL_SIZE,), dtype=jnp.float32)
    return {"x": x, "emb": emb, "W": W, "b": b}

def reference(x, emb, W, b):
    # x: [1, L] int indices -> embedding lookup -> [1, L, D]
    e = jnp.take(emb, x, axis=0)
    # torch: max_pool1d(e.permute(0,2,1), L) == max over the sequence dim
    pooled = jnp.max(e, axis=1)  # [1, D]
    # fc1 on view(1, embed_dim)
    logit = pooled.reshape(1, EMBED_DIM) @ W.T + b  # [1, LABEL_SIZE]
    return logit

if __name__ == "__main__":
    import jax
    _d = setup_inputs()
    print(jax.jit(kernel)(*tuple(_d.values())))

</pallas_src>

<mosaic_0001>
#map = affine_map<(d0, d1) -> (0)>
#map1 = affine_map<(d0, d1) -> (0, 0)>
module attributes {stable_mosaic.version = 14 : i64} {
  func.func @_gather_body(%arg0: i32, %arg1: i32, %arg2: memref<200xi32, #tpu.memory_space<hbm>>, %arg3: memref<64x1000000xf32, #tpu.memory_space<hbm>>, %arg4: memref<3200xf32, #tpu.memory_space<hbm>>, %arg5: memref<16xi32, #tpu.memory_space<vmem>>, %arg6: memref<6x64x128xf32, #tpu.memory_space<vmem>>, %arg7: memref<128xf32, #tpu.memory_space<vmem>>, %arg8: memref<!tpu.dma_semaphore, #tpu.memory_space<semaphore_mem>>, %arg9: memref<!tpu.dma_semaphore, #tpu.memory_space<semaphore_mem>>, %arg10: memref<!tpu.dma_semaphore, #tpu.memory_space<semaphore_mem>>, %arg11: memref<!tpu.dma_semaphore, #tpu.memory_space<semaphore_mem>>, %arg12: memref<!tpu.dma_semaphore, #tpu.memory_space<semaphore_mem>>, %arg13: memref<!tpu.dma_semaphore, #tpu.memory_space<semaphore_mem>>) attributes {dimension_semantics = [#tpu.dimension_semantics<core_parallel>, #tpu.dimension_semantics<subcore_parallel>], iteration_bounds = array<i64: 2, 16>, scalar_prefetch = 0 : i64, scratch_operands = 9 : i64, tpu.core_type = #tpu.core_type<sc_vector_subcore>, window_params = [{transform_indices = #map}, {transform_indices = #map1}, {transform_indices = #map}]} {
    %mul3A = arith.constant 2 : i32
    %mul3A_0 = arith.muli %arg1, %mul3A : i32
    %add3A = arith.addi %mul3A_0, %arg0 : i32
    %lt3A = arith.constant 25 : i32
    %lt3A_1 = arith.cmpi slt, %add3A, %lt3A : i32
    %convert_element_type3A = arith.extui %lt3A_1 : i1 to i32
    %cond3A = arith.constant 0 : i32
    %cond3A_2 = arith.cmpi ne, %convert_element_type3A, %cond3A : i32
    scf.if %cond3A_2 {
      %mul3A_3 = arith.constant 8 : i32
      %mul3A_4 = arith.muli %add3A, %mul3A_3 : i32
      "tpu.region"() ({
        %run_scoped3A = tpu.sem_alloc : memref<!tpu.dma_semaphore, #tpu.memory_space<semaphore_mem>>
        %dma_start3A_795 = arith.constant 0 : i32
        %dma_start3A_796 = tpu.memref_slice %arg5[%dma_start3A_795] : memref<16xi32, #tpu.memory_space<vmem>> -> memref<8xi32, #tpu.memory_space<vmem>>
        %dma_start3A_797 = tpu.memref_slice %arg2[%mul3A_4] : memref<200xi32, #tpu.memory_space<hbm>> -> memref<8xi32, #tpu.memory_space<hbm>>
        %dma_start3A_798 = arith.constant 0 : i32
        %dma_start3A_799 = tpu.memref_slice %arg5[%dma_start3A_798] : memref<16xi32, #tpu.memory_space<vmem>> -> memref<8xi32, #tpu.memory_space<vmem>>
        %dma_start3A_800 = tpu.memref_slice %arg2[%mul3A_4] : memref<200xi32, #tpu.memory_space<hbm>> -> memref<8xi32, #tpu.memory_space<hbm>>
        tpu.enqueue_dma source(%dma_start3A_800 : memref<8xi32, #tpu.memory_space<hbm>>) target(%dma_start3A_799 : memref<8xi32, #tpu.memory_space<vmem>>) target_semaphore(%run_scoped3A : memref<!tpu.dma_semaphore, #tpu.memory_space<semaphore_mem>>)
        %dma_wait3A_801 = arith.constant 0 : i32
        %dma_wait3A_802 = tpu.memref_slice %arg5[%dma_wait3A_801] : memref<16xi32, #tpu.memory_space<vmem>> -> memref<8xi32, #tpu.memory_space<vmem>>
        %dma_wait3A_803 = tpu.memref_slice %arg2[%mul3A_4] : memref<200xi32, #tpu.memory_space<hbm>> -> memref<8xi32, #tpu.memory_space<hbm>>
        %dma_wait3A_804 = arith.constant 0 : i32
        %dma_wait3A_805 = tpu.memref_slice %arg5[%dma_wait3A_804] : memref<16xi32, #tpu.memory_space<vmem>> -> memref<8xi32, #tpu.memory_space<vmem>>
        %dma_wait3A_806 = tpu.memref_slice %arg2[%mul3A_4] : memref<200xi32, #tpu.memory_space<hbm>> -> memref<8xi32, #tpu.memory_space<hbm>>
        tpu.wait_dma2 semaphore(%run_scoped3A : memref<!tpu.dma_semaphore, #tpu.memory_space<semaphore_mem>>) src(%dma_wait3A_806 : memref<8xi32, #tpu.memory_space<hbm>>) dst(%dma_wait3A_805 : memref<8xi32, #tpu.memory_space<vmem>>)
        tpu.yield
      }) : () -> ()
      %get3A = arith.constant 0 : index
      %get3A_5 = tpu.vector_load %arg5[%get3A] {strides = array<i32>} : memref<16xi32, #tpu.memory_space<vmem>>, vector<16xi32>,
      %slice3A = vector.extract_strided_slice %get3A_5 {offsets = [0], sizes = [1], strides = [1]} : vector<16xi32> to vector<1xi32>
      %squeeze3A = vector.extract %slice3A[0] : i32 from vector<1xi32>
      %jit3A = arith.constant 128 : i32
      %div3A = arith.divsi %squeeze3A, %jit3A : i32
      %sign3A = arith.constant 0 : i32
      %sign3A_6 = arith.cmpi sgt, %squeeze3A, %sign3A : i32
      %sign3A_7 = arith.extui %sign3A_6 : i1 to i32
      %sign3A_8 = arith.constant 0 : i32
      %sign3A_9 = arith.cmpi slt, %squeeze3A, %sign3A_8 : i32
      %sign3A_10 = arith.extui %sign3A_9 : i1 to i32
      %sign3A_11 = arith.subi %sign3A_7, %sign3A_10 : i32
      %sign3A_12 = arith.constant 0 : i32
      %sign3A_13 = arith.cmpi sgt, %jit3A, %sign3A_12 : i32
      %sign3A_14 = arith.extui %sign3A_13 : i1 to i32
      %sign3A_15 = arith.constant 0 : i32
      %sign3A_16 = arith.cmpi slt, %jit3A, %sign3A_15 : i32
      %sign3A_17 = arith.extui %sign3A_16 : i1 to i32
      %sign3A_18 = arith.subi %sign3A_14, %sign3A_17 : i32
      %ne3A = arith.cmpi ne, %sign3A_11, %sign3A_18 : i32
      %rem3A = arith.remsi %squeeze3A, %jit3A : i32
      %ne3A_19 = arith.constant 0 : i32
      %ne3A_20 = arith.cmpi ne, %rem3A, %ne3A_19 : i32
      %and3A = arith.andi %ne3A, %ne3A_20 : i1
      %sub3A = arith.constant 1 : i32
      %sub3A_21 = arith.subi %div3A, %sub3A : i32
      %select_n3A = arith.select %and3A, %sub3A_21, %div3A : i32
      %mul3A_22 = arith.constant 128 : i32
      %mul3A_23 = arith.muli %select_n3A, %mul3A_22 : i32
      %sub3A_24 = arith.subi %squeeze3A, %mul3A_23 : i32
      %slice3A_25 = vector.extract_strided_slice %get3A_5 {offsets = [1], sizes = [1], strides = [1]} : vector<16xi32> to vector<1xi32>
      %squeeze3A_26 = vector.extract %slice3A_25[0] : i32 from vector<1xi32>
      %jit3A_27 = arith.constant 128 : i32
      %div3A_28 = arith.divsi %squeeze3A_26, %jit3A_27 : i32
      %sign3A_29 = arith.constant 0 : i32
      %sign3A_30 = arith.cmpi sgt, %squeeze3A_26, %sign3A_29 : i32
      %sign3A_31 = arith.extui %sign3A_30 : i1 to i32
      %sign3A_32 = arith.constant 0 : i32
      %sign3A_33 = arith.cmpi slt, %squeeze3A_26, %sign3A_32 : i32
      %sign3A_34 = arith.extui %sign3A_33 : i1 to i32
      %sign3A_35 = arith.subi %sign3A_31, %sign3A_34 : i32
      %sign3A_36 = arith.constant 0 : i32
      %sign3A_37 = arith.cmpi sgt, %jit3A_27, %sign3A_36 : i32
      %sign3A_38 = arith.extui %sign3A_37 : i1 to i32
      %sign3A_39 = arith.constant 0 : i32
      %sign3A_40 = arith.cmpi slt, %jit3A_27, %sign3A_39 : i32
      %sign3A_41 = arith.extui %sign3A_40 : i1 to i32
      %sign3A_42 = arith.subi %sign3A_38, %sign3A_41 : i32
      %ne3A_43 = arith.cmpi ne, %sign3A_35, %sign3A_42 : i32
      %rem3A_44 = arith.remsi %squeeze3A_26, %jit3A_27 : i32
      %ne3A_45 = arith.constant 0 : i32
      %ne3A_46 = arith.cmpi ne, %rem3A_44, %ne3A_45 : i32
      %and3A_47 = arith.andi %ne3A_43, %ne3A_46 : i1
      %sub3A_48 = arith.constant 1 : i32
      %sub3A_49 = arith.subi %div3A_28, %sub3A_48 : i32
      %select_n3A_50 = arith.select %and3A_47, %sub3A_49, %div3A_28 : i32
      %mul3A_51 = arith.constant 128 : i32
      %mul3A_52 = arith.muli %select_n3A_50, %mul3A_51 : i32
      %sub3A_53 = arith.subi %squeeze3A_26, %mul3A_52 : i32
      %slice3A_54 = vector.extract_strided_slice %get3A_5 {offsets = [2], sizes = [1], strides = [1]} : vector<16xi32> to vector<1xi32>
      %squeeze3A_55 = vector.extract %slice3A_54[0] : i32 from vector<1xi32>
      %jit3A_56 = arith.constant 128 : i32
      %div3A_57 = arith.divsi %squeeze3A_55, %jit3A_56 : i32
      %sign3A_58 = arith.constant 0 : i32
      %sign3A_59 = arith.cmpi sgt, %squeeze3A_55, %sign3A_58 : i32
      %sign3A_60 = arith.extui %sign3A_59 : i1 to i32
      %sign3A_61 = arith.constant 0 : i32
      %sign3A_62 = arith.cmpi slt, %squeeze3A_55, %sign3A_61 : i32
      %sign3A_63 = arith.extui %sign3A_62 : i1 to i32
      %sign3A_64 = arith.subi %sign3A_60, %sign3A_63 : i32
      %sign3A_65 = arith.constant 0 : i32
      %sign3A_66 = arith.cmpi sgt, %jit3A_56, %sign3A_65 : i32
      %sign3A_67 = arith.extui %sign3A_66 : i1 to i32
      %sign3A_68 = arith.constant 0 : i32
      %sign3A_69 = arith.cmpi slt, %jit3A_56, %sign3A_68 : i32
      %sign3A_70 = arith.extui %sign3A_69 : i1 to i32
      %sign3A_71 = arith.subi %sign3A_67, %sign3A_70 : i32
      %ne3A_72 = arith.cmpi ne, %sign3A_64, %sign3A_71 : i32
      %rem3A_73 = arith.remsi %squeeze3A_55, %jit3A_56 : i32
      %ne3A_74 = arith.constant 0 : i32
      %ne3A_75 = arith.cmpi ne, %rem3A_73, %ne3A_74 : i32
      %and3A_76 = arith.andi %ne3A_72, %ne3A_75 : i1
      %sub3A_77 = arith.constant 1 : i32
      %sub3A_78 = arith.subi %div3A_57, %sub3A_77 : i32
      %select_n3A_79 = arith.select %and3A_76, %sub3A_78, %div3A_57 : i32
      %mul3A_80 = arith.constant 128 : i32
      %mul3A_81 = arith.muli %select_n3A_79, %mul3A_80 : i32
      %sub3A_82 = arith.subi %squeeze3A_55, %mul3A_81 : i32
      %slice3A_83 = vector.extract_strided_slice %get3A_5 {offsets = [3], sizes = [1], strides = [1]} : vector<16xi32> to vector<1xi32>
      %squeeze3A_84 = vector.extract %slice3A_83[0] : i32 from vector<1xi32>
      %jit3A_85 = arith.constant 128 : i32
      %div3A_86 = arith.divsi %squeeze3A_84, %jit3A_85 : i32
      %sign3A_87 = arith.constant 0 : i32
      %sign3A_88 = arith.cmpi sgt, %squeeze3A_84, %sign3A_87 : i32
      %sign3A_89 = arith.extui %sign3A_88 : i1 to i32
      %sign3A_90 = arith.constant 0 : i32
      %sign3A_91 = arith.cmpi slt, %squeeze3A_84, %sign3A_90 : i32
      %sign3A_92 = arith.extui %sign3A_91 : i1 to i32
      %sign3A_93 = arith.subi %sign3A_89, %sign3A_92 : i32
      %sign3A_94 = arith.constant 0 : i32
      %sign3A_95 = arith.cmpi sgt, %jit3A_85, %sign3A_94 : i32
      %sign3A_96 = arith.extui %sign3A_95 : i1 to i32
      %sign3A_97 = arith.constant 0 : i32
      %sign3A_98 = arith.cmpi slt, %jit3A_85, %sign3A_97 : i32
      %sign3A_99 = arith.extui %sign3A_98 : i1 to i32
      %sign3A_100 = arith.subi %sign3A_96, %sign3A_99 : i32
      %ne3A_101 = arith.cmpi ne, %sign3A_93, %sign3A_100 : i32
      %rem3A_102 = arith.remsi %squeeze3A_84, %jit3A_85 : i32
      %ne3A_103 = arith.constant 0 : i32
      %ne3A_104 = arith.cmpi ne, %rem3A_102, %ne3A_103 : i32
      %and3A_105 = arith.andi %ne3A_101, %ne3A_104 : i1
      %sub3A_106 = arith.constant 1 : i32
      %sub3A_107 = arith.subi %div3A_86, %sub3A_106 : i32
      %select_n3A_108 = arith.select %and3A_105, %sub3A_107, %div3A_86 : i32
      %mul3A_109 = arith.constant 128 : i32
      %mul3A_110 = arith.muli %select_n3A_108, %mul3A_109 : i32
      %sub3A_111 = arith.subi %squeeze3A_84, %mul3A_110 : i32
      %slice3A_112 = vector.extract_strided_slice %get3A_5 {offsets = [4], sizes = [1], strides = [1]} : vector<16xi32> to vector<1xi32>
      %squeeze3A_113 = vector.extract %slice3A_112[0] : i32 from vector<1xi32>
      %jit3A_114 = arith.constant 128 : i32
      %div3A_115 = arith.divsi %squeeze3A_113, %jit3A_114 : i32
      %sign3A_116 = arith.constant 0 : i32
      %sign3A_117 = arith.cmpi sgt, %squeeze3A_113, %sign3A_116 : i32
      %sign3A_118 = arith.extui %sign3A_117 : i1 to i32
      %sign3A_119 = arith.constant 0 : i32
      %sign3A_120 = arith.cmpi slt, %squeeze3A_113, %sign3A_119 : i32
      %sign3A_121 = arith.extui %sign3A_120 : i1 to i32
      %sign3A_122 = arith.subi %sign3A_118, %sign3A_121 : i32
      %sign3A_123 = arith.constant 0 : i32
      %sign3A_124 = arith.cmpi sgt, %jit3A_114, %sign3A_123 : i32
      %sign3A_125 = arith.extui %sign3A_124 : i1 to i32
      %sign3A_126 = arith.constant 0 : i32
      %sign3A_127 = arith.cmpi slt, %jit3A_114, %sign3A_126 : i32
      %sign3A_128 = arith.extui %sign3A_127 : i1 to i32
      %sign3A_129 = arith.subi %sign3A_125, %sign3A_128 : i32
      %ne3A_130 = arith.cmpi ne, %sign3A_122, %sign3A_129 : i32
      %rem3A_131 = arith.remsi %squeeze3A_113, %jit3A_114 : i32
      %ne3A_132 = arith.constant 0 : i32
      %ne3A_133 = arith.cmpi ne, %rem3A_131, %ne3A_132 : i32
      %and3A_134 = arith.andi %ne3A_130, %ne3A_133 : i1
      %sub3A_135 = arith.constant 1 : i32
      %sub3A_136 = arith.subi %div3A_115, %sub3A_135 : i32
      %select_n3A_137 = arith.select %and3A_134, %sub3A_136, %div3A_115 : i32
      %mul3A_138 = arith.constant 128 : i32
      %mul3A_139 = arith.muli %select_n3A_137, %mul3A_138 : i32
      %sub3A_140 = arith.subi %squeeze3A_113, %mul3A_139 : i32
      %slice3A_141 = vector.extract_strided_slice %get3A_5 {offsets = [5], sizes = [1], strides = [1]} : vector<16xi32> to vector<1xi32>
      %squeeze3A_142 = vector.extract %slice3A_141[0] : i32 from vector<1xi32>
      %jit3A_143 = arith.constant 128 : i32
      %div3A_144 = arith.divsi %squeeze3A_142, %jit3A_143 : i32
      %sign3A_145 = arith.constant 0 : i32
      %sign3A_146 = arith.cmpi sgt, %squeeze3A_142, %sign3A_145 : i32
      %sign3A_147 = arith.extui %sign3A_146 : i1 to i32
      %sign3A_148 = arith.constant 0 : i32
      %sign3A_149 = arith.cmpi slt, %squeeze3A_142, %sign3A_148 : i32
      %sign3A_150 = arith.extui %sign3A_149 : i1 to i32
      %sign3A_151 = arith.subi %sign3A_147, %sign3A_150 : i32
      %sign3A_152 = arith.constant 0 : i32
      %sign3A_153 = arith.cmpi sgt, %jit3A_143, %sign3A_152 : i32
      %sign3A_154 = arith.extui %sign3A_153 : i1 to i32
      %sign3A_155 = arith.constant 0 : i32
      %sign3A_156 = arith.cmpi slt, %jit3A_143, %sign3A_155 : i32
      %sign3A_157 = arith.extui %sign3A_156 : i1 to i32
      %sign3A_158 = arith.subi %sign3A_154, %sign3A_157 : i32
      %ne3A_159 = arith.cmpi ne, %sign3A_151, %sign3A_158 : i32
      %rem3A_160 = arith.remsi %squeeze3A_142, %jit3A_143 : i32
      %ne3A_161 = arith.constant 0 : i32
      %ne3A_162 = arith.cmpi ne, %rem3A_160, %ne3A_161 : i32
      %and3A_163 = arith.andi %ne3A_159, %ne3A_162 : i1
      %sub3A_164 = arith.constant 1 : i32
      %sub3A_165 = arith.subi %div3A_144, %sub3A_164 : i32
      %select_n3A_166 = arith.select %and3A_163, %sub3A_165, %div3A_144 : i32
      %mul3A_167 = arith.constant 128 : i32
      %mul3A_168 = arith.muli %select_n3A_166, %mul3A_167 : i32
      %sub3A_169 = arith.subi %squeeze3A_142, %mul3A_168 : i32
      %slice3A_170 = vector.extract_strided_slice %get3A_5 {offsets = [6], sizes = [1], strides = [1]} : vector<16xi32> to vector<1xi32>
      %squeeze3A_171 = vector.extract %slice3A_170[0] : i32 from vector<1xi32>
      %jit3A_172 = arith.constant 128 : i32
      %div3A_173 = arith.divsi %squeeze3A_171, %jit3A_172 : i32
      %sign3A_174 = arith.constant 0 : i32
      %sign3A_175 = arith.cmpi sgt, %squeeze3A_171, %sign3A_174 : i32
      %sign3A_176 = arith.extui %sign3A_175 : i1 to i32
      %sign3A_177 = arith.constant 0 : i32
      %sign3A_178 = arith.cmpi slt, %squeeze3A_171, %sign3A_177 : i32
      %sign3A_179 = arith.extui %sign3A_178 : i1 to i32
      %sign3A_180 = arith.subi %sign3A_176, %sign3A_179 : i32
      %sign3A_181 = arith.constant 0 : i32
      %sign3A_182 = arith.cmpi sgt, %jit3A_172, %sign3A_181 : i32
      %sign3A_183 = arith.extui %sign3A_182 : i1 to i32
      %sign3A_184 = arith.constant 0 : i32
      %sign3A_185 = arith.cmpi slt, %jit3A_172, %sign3A_184 : i32
      %sign3A_186 = arith.extui %sign3A_185 : i1 to i32
      %sign3A_187 = arith.subi %sign3A_183, %sign3A_186 : i32
      %ne3A_188 = arith.cmpi ne, %sign3A_180, %sign3A_187 : i32
      %rem3A_189 = arith.remsi %squeeze3A_171, %jit3A_172 : i32
      %ne3A_190 = arith.constant 0 : i32
      %ne3A_191 = arith.cmpi ne, %rem3A_189, %ne3A_190 : i32
      %and3A_192 = arith.andi %ne3A_188, %ne3A_191 : i1
      %sub3A_193 = arith.constant 1 : i32
      %sub3A_194 = arith.subi %div3A_173, %sub3A_193 : i32
      %select_n3A_195 = arith.select %and3A_192, %sub3A_194, %div3A_173 : i32
      %mul3A_196 = arith.constant 128 : i32
      %mul3A_197 = arith.muli %select_n3A_195, %mul3A_196 : i32
      %sub3A_198 = arith.subi %squeeze3A_171, %mul3A_197 : i32
      %slice3A_199 = vector.extract_strided_slice %get3A_5 {offsets = [7], sizes = [1], strides = [1]} : vector<16xi32> to vector<1xi32>
      %squeeze3A_200 = vector.extract %slice3A_199[0] : i32 from vector<1xi32>
      %jit3A_201 = arith.constant 128 : i32
      %div3A_202 = arith.divsi %squeeze3A_200, %jit3A_201 : i32
      %sign3A_203 = arith.constant 0 : i32
      %sign3A_204 = arith.cmpi sgt, %squeeze3A_200, %sign3A_203 : i32
      %sign3A_205 = arith.extui %sign3A_204 : i1 to i32
      %sign3A_206 = arith.constant 0 : i32
      %sign3A_207 = arith.cmpi slt, %squeeze3A_200, %sign3A_206 : i32
      %sign3A_208 = arith.extui %sign3A_207 : i1 to i32
      %sign3A_209 = arith.subi %sign3A_205, %sign3A_208 : i32
      %sign3A_210 = arith.constant 0 : i32
      %sign3A_211 = arith.cmpi sgt, %jit3A_201, %sign3A_210 : i32
      %sign3A_212 = arith.extui %sign3A_211 : i1 to i32
      %sign3A_213 = arith.constant 0 : i32
      %sign3A_214 = arith.cmpi slt, %jit3A_201, %sign3A_213 : i32
      %sign3A_215 = arith.extui %sign3A_214 : i1 to i32
      %sign3A_216 = arith.subi %sign3A_212, %sign3A_215 : i32
      %ne3A_217 = arith.cmpi ne, %sign3A_209, %sign3A_216 : i32
      %rem3A_218 = arith.remsi %squeeze3A_200, %jit3A_201 : i32
      %ne3A_219 = arith.constant 0 : i32
      %ne3A_220 = arith.cmpi ne, %rem3A_218, %ne3A_219 : i32
      %and3A_221 = arith.andi %ne3A_217, %ne3A_220 : i1
      %sub3A_222 = arith.constant 1 : i32
      %sub3A_223 = arith.subi %div3A_202, %sub3A_222 : i32
      %select_n3A_224 = arith.select %and3A_221, %sub3A_223, %div3A_202 : i32
      %mul3A_225 = arith.constant 128 : i32
      %mul3A_226 = arith.muli %select_n3A_224, %mul3A_225 : i32
      %sub3A_227 = arith.subi %squeeze3A_200, %mul3A_226 : i32
      %dma_start3A = arith.constant 0 : i32
      %dma_start3A_228 = arith.constant 0 : i32
      %dma_start3A_229 = arith.constant 0 : i32
      %dma_start3A_230 = tpu.memref_slice %arg6[%dma_start3A, %dma_start3A_228, %dma_start3A_229] : memref<6x64x128xf32, #tpu.memory_space<vmem>> -> memref<1x64x128xf32, #tpu.memory_space<vmem>>
      %dma_start3A_231 = tpu.memref_squeeze %dma_start3A_230 : memref<1x64x128xf32, #tpu.memory_space<vmem>> -> memref<64x128xf32, #tpu.memory_space<vmem>>
      %dma_start3A_232 = arith.constant 0 : i32
      %dma_start3A_233 = tpu.memref_slice %arg3[%dma_start3A_232, %mul3A_23] : memref<64x1000000xf32, #tpu.memory_space<hbm>> -> memref<64x128xf32, #tpu.memory_space<hbm>>
      %dma_start3A_234 = arith.constant 0 : i32
      %dma_start3A_235 = arith.constant 0 : i32
      %dma_start3A_236 = tpu.memref_slice %arg6[%dma_start3A, %dma_start3A_234, %dma_start3A_235] : memref<6x64x128xf32, #tpu.memory_space<vmem>> -> memref<1x64x128xf32, #tpu.memory_space<vmem>>
      %dma_start3A_237 = tpu.memref_squeeze %dma_start3A_236 : memref<1x64x128xf32, #tpu.memory_space<vmem>> -> memref<64x128xf32, #tpu.memory_space<vmem>>
      %dma_start3A_238 = arith.constant 0 : i32
      %dma_start3A_239 = tpu.memref_slice %arg3[%dma_start3A_238, %mul3A_23] : memref<64x1000000xf32, #tpu.memory_space<hbm>> -> memref<64x128xf32, #tpu.memory_space<hbm>>
      tpu.enqueue_dma source(%dma_start3A_239 : memref<64x128xf32, #tpu.memory_space<hbm>>) target(%dma_start3A_237 : memref<64x128xf32, #tpu.memory_space<vmem>>) target_semaphore(%arg8 : memref<!tpu.dma_semaphore, #tpu.memory_space<semaphore_mem>>)
      %dma_start3A_240 = arith.constant 1 : i32
      %dma_start3A_241 = arith.constant 0 : i32
      %dma_start3A_242 = arith.constant 0 : i32
      %dma_start3A_243 = tpu.memref_slice %arg6[%dma_start3A_240, %dma_start3A_241, %dma_start3A_242] : memref<6x64x128xf32, #tpu.memory_space<vmem>> -> memref<1x64x128xf32, #tpu.memory_space<vmem>>
      %dma_start3A_244 = tpu.memref_squeeze %dma_start3A_243 : memref<1x64x128xf32, #tpu.memory_space<vmem>> -> memref<64x128xf32, #tpu.memory_space<vmem>>
      %dma_start3A_245 = arith.constant 0 : i32
      %dma_start3A_246 = tpu.memref_slice %arg3[%dma_start3A_245, %mul3A_52] : memref<64x1000000xf32, #tpu.memory_space<hbm>> -> memref<64x128xf32, #tpu.memory_space<hbm>>
      %dma_start3A_247 = arith.constant 0 : i32
      %dma_start3A_248 = arith.constant 0 : i32
      %dma_start3A_249 = tpu.memref_slice %arg6[%dma_start3A_240, %dma_start3A_247, %dma_start3A_248] : memref<6x64x128xf32, #tpu.memory_space<vmem>> -> memref<1x64x128xf32, #tpu.memory_space<vmem>>
      %dma_start3A_250 = tpu.memref_squeeze %dma_start3A_249 : memref<1x64x128xf32, #tpu.memory_space<vmem>> -> memref<64x128xf32, #tpu.memory_space<vmem>>
      %dma_start3A_251 = arith.constant 0 : i32
      %dma_start3A_252 = tpu.memref_slice %arg3[%dma_start3A_251, %mul3A_52] : memref<64x1000000xf32, #tpu.memory_space<hbm>> -> memref<64x128xf32, #tpu.memory_space<hbm>>
      tpu.enqueue_dma source(%dma_start3A_252 : memref<64x128xf32, #tpu.memory_space<hbm>>) target(%dma_start3A_250 : memref<64x128xf32, #tpu.memory_space<vmem>>) target_semaphore(%arg9 : memref<!tpu.dma_semaphore, #tpu.memory_space<semaphore_mem>>)
      %dma_start3A_253 = arith.constant 2 : i32
      %dma_start3A_254 = arith.constant 0 : i32
      %dma_start3A_255 = arith.constant 0 : i32
      %dma_start3A_256 = tpu.memref_slice %arg6[%dma_start3A_253, %dma_start3A_254, %dma_start3A_255] : memref<6x64x128xf32, #tpu.memory_space<vmem>> -> memref<1x64x128xf32, #tpu.memory_space<vmem>>
      %dma_start3A_257 = tpu.memref_squeeze %dma_start3A_256 : memref<1x64x128xf32, #tpu.memory_space<vmem>> -> memref<64x128xf32, #tpu.memory_space<vmem>>
      %dma_start3A_258 = arith.constant 0 : i32
      %dma_start3A_259 = tpu.memref_slice %arg3[%dma_start3A_258, %mul3A_81] : memref<64x1000000xf32, #tpu.memory_space<hbm>> -> memref<64x128xf32, #tpu.memory_space<hbm>>
      %dma_start3A_260 = arith.constant 0 : i32
      %dma_start3A_261 = arith.constant 0 : i32
      %dma_start3A_262 = tpu.memref_slice %arg6[%dma_start3A_253, %dma_start3A_260, %dma_start3A_261] : memref<6x64x128xf32, #tpu.memory_space<vmem>> -> memref<1x64x128xf32, #tpu.memory_space<vmem>>
      %dma_start3A_263 = tpu.memref_squeeze %dma_start3A_262 : memref<1x64x128xf32, #tpu.memory_space<vmem>> -> memref<64x128xf32, #tpu.memory_space<vmem>>
      %dma_start3A_264 = arith.constant 0 : i32
      %dma_start3A_265 = tpu.memref_slice %arg3[%dma_start3A_264, %mul3A_81] : memref<64x1000000xf32, #tpu.memory_space<hbm>> -> memref<64x128xf32, #tpu.memory_space<hbm>>
      tpu.enqueue_dma source(%dma_start3A_265 : memref<64x128xf32, #tpu.memory_space<hbm>>) target(%dma_start3A_263 : memref<64x128xf32, #tpu.memory_space<vmem>>) target_semaphore(%arg10 : memref<!tpu.dma_semaphore, #tpu.memory_space<semaphore_mem>>)
      %dma_start3A_266 = arith.constant 3 : i32
      %dma_start3A_267 = arith.constant 0 : i32
      %dma_start3A_268 = arith.constant 0 : i32
      %dma_start3A_269 = tpu.memref_slice %arg6[%dma_start3A_266, %dma_start3A_267, %dma_start3A_268] : memref<6x64x128xf32, #tpu.memory_space<vmem>> -> memref<1x64x128xf32, #tpu.memory_space<vmem>>
      %dma_start3A_270 = tpu.memref_squeeze %dma_start3A_269 : memref<1x64x128xf32, #tpu.memory_space<vmem>> -> memref<64x128xf32, #tpu.memory_space<vmem>>
      %dma_start3A_271 = arith.constant 0 : i32
      %dma_start3A_272 = tpu.memref_slice %arg3[%dma_start3A_271, %mul3A_110] : memref<64x1000000xf32, #tpu.memory_space<hbm>> -> memref<64x128xf32, #tpu.memory_space<hbm>>
      %dma_start3A_273 = arith.constant 0 : i32
      %dma_start3A_274 = arith.constant 0 : i32
      %dma_start3A_275 = tpu.memref_slice %arg6[%dma_start3A_266, %dma_start3A_273, %dma_start3A_274] : memref<6x64x128xf32, #tpu.memory_space<vmem>> -> memref<1x64x128xf32, #tpu.memory_space<vmem>>
      %dma_start3A_276 = tpu.memref_squeeze %dma_start3A_275 : memref<1x64x128xf32, #tpu.memory_space<vmem>> -> memref<64x128xf32, #tpu.memory_space<vmem>>
      %dma_start3A_277 = arith.constant 0 : i32
      %dma_start3A_278 = tpu.memref_slice %arg3[%dma_start3A_277, %mul3A_110] : memref<64x1000000xf32, #tpu.memory_space<hbm>> -> memref<64x128xf32, #tpu.memory_space<hbm>>
      tpu.enqueue_dma source(%dma_start3A_278 : memref<64x128xf32, #tpu.memory_space<hbm>>) target(%dma_start3A_276 : memref<64x128xf32, #tpu.memory_space<vmem>>) target_semaphore(%arg11 : memref<!tpu.dma_semaphore, #tpu.memory_space<semaphore_mem>>)
      %dma_start3A_279 = arith.constant 4 : i32
      %dma_start3A_280 = arith.constant 0 : i32
      %dma_start3A_281 = arith.constant 0 : i32
      %dma_start3A_282 = tpu.memref_slice %arg6[%dma_start3A_279, %dma_start3A_280, %dma_start3A_281] : memref<6x64x128xf32, #tpu.memory_space<vmem>> -> memref<1x64x128xf32, #tpu.memory_space<vmem>>
      %dma_start3A_283 = tpu.memref_squeeze %dma_start3A_282 : memref<1x64x128xf32, #tpu.memory_space<vmem>> -> memref<64x128xf32, #tpu.memory_space<vmem>>
      %dma_start3A_284 = arith.constant 0 : i32
      %dma_start3A_285 = tpu.memref_slice %arg3[%dma_start3A_284, %mul3A_139] : memref<64x1000000xf32, #tpu.memory_space<hbm>> -> memref<64x128xf32, #tpu.memory_space<hbm>>
      %dma_start3A_286 = arith.constant 0 : i32
      %dma_start3A_287 = arith.constant 0 : i32
      %dma_start3A_288 = tpu.memref_slice %arg6[%dma_start3A_279, %dma_start3A_286, %dma_start3A_287] : memref<6x64x128xf32, #tpu.memory_space<vmem>> -> memref<1x64x128xf32, #tpu.memory_space<vmem>>
      %dma_start3A_289 = tpu.memref_squeeze %dma_start3A_288 : memref<1x64x128xf32, #tpu.memory_space<vmem>> -> memref<64x128xf32, #tpu.memory_space<vmem>>
      %dma_start3A_290 = arith.constant 0 : i32
      %dma_start3A_291 = tpu.memref_slice %arg3[%dma_start3A_290, %mul3A_139] : memref<64x1000000xf32, #tpu.memory_space<hbm>> -> memref<64x128xf32, #tpu.memory_space<hbm>>
      tpu.enqueue_dma source(%dma_start3A_291 : memref<64x128xf32, #tpu.memory_space<hbm>>) target(%dma_start3A_289 : memref<64x128xf32, #tpu.memory_space<vmem>>) target_semaphore(%arg12 : memref<!tpu.dma_semaphore, #tpu.memory_space<semaphore_mem>>)
      %dma_start3A_292 = arith.constant 5 : i32
      %dma_start3A_293 = arith.constant 0 : i32
      %dma_start3A_294 = arith.constant 0 : i32
      %dma_start3A_295 = tpu.memref_slice %arg6[%dma_start3A_292, %dma_start3A_293, %dma_start3A_294] : memref<6x64x128xf32, #tpu.memory_space<vmem>> -> memref<1x64x128xf32, #tpu.memory_space<vmem>>
      %dma_start3A_296 = tpu.memref_squeeze %dma_start3A_295 : memref<1x64x128xf32, #tpu.memory_space<vmem>> -> memref<64x128xf32, #tpu.memory_space<vmem>>
      %dma_start3A_297 = arith.constant 0 : i32
      %dma_start3A_298 = tpu.memref_slice %arg3[%dma_start3A_297, %mul3A_168] : memref<64x1000000xf32, #tpu.memory_space<hbm>> -> memref<64x128xf32, #tpu.memory_space<hbm>>
      %dma_start3A_299 = arith.constant 0 : i32
      %dma_start3A_300 = arith.constant 0 : i32
      %dma_start3A_301 = tpu.memref_slice %arg6[%dma_start3A_292, %dma_start3A_299, %dma_start3A_300] : memref<6x64x128xf32, #tpu.memory_space<vmem>> -> memref<1x64x128xf32, #tpu.memory_space<vmem>>
      %dma_start3A_302 = tpu.memref_squeeze %dma_start3A_301 : memref<1x64x128xf32, #tpu.memory_space<vmem>> -> memref<64x128xf32, #tpu.memory_space<vmem>>
      %dma_start3A_303 = arith.constant 0 : i32
      %dma_start3A_304 = tpu.memref_slice %arg3[%dma_start3A_303, %mul3A_168] : memref<64x1000000xf32, #tpu.memory_space<hbm>> -> memref<64x128xf32, #tpu.memory_space<hbm>>
      tpu.enqueue_dma source(%dma_start3A_304 : memref<64x128xf32, #tpu.memory_space<hbm>>) target(%dma_start3A_302 : memref<64x128xf32, #tpu.memory_space<vmem>>) target_semaphore(%arg13 : memref<!tpu.dma_semaphore, #tpu.memory_space<semaphore_mem>>)
      %dma_wait3A = arith.constant 0 : i32
      %dma_wait3A_305 = arith.constant 0 : i32
      %dma_wait3A_306 = arith.constant 0 : i32
      %dma_wait3A_307 = tpu.memref_slice %arg6[%dma_wait3A, %dma_wait3A_305, %dma_wait3A_306] : memref<6x64x128xf32, #tpu.memory_space<vmem>> -> memref<1x64x128xf32, #tpu.memory_space<vmem>>
      %dma_wait3A_308 = tpu.memref_squeeze %dma_wait3A_307 : memref<1x64x128xf32, #tpu.memory_space<vmem>> -> memref<64x128xf32, #tpu.memory_space<vmem>>
      %dma_wait3A_309 = arith.constant 0 : i32
      %dma_wait3A_310 = tpu.memref_slice %arg3[%dma_wait3A_309, %mul3A_23] : memref<64x1000000xf32, #tpu.memory_space<hbm>> -> memref<64x128xf32, #tpu.memory_space<hbm>>
      %dma_wait3A_311 = arith.constant 0 : i32
      %dma_wait3A_312 = arith.constant 0 : i32
      %dma_wait3A_313 = tpu.memref_slice %arg6[%dma_wait3A, %dma_wait3A_311, %dma_wait3A_312] : memref<6x64x128xf32, #tpu.memory_space<vmem>> -> memref<1x64x128xf32, #tpu.memory_space<vmem>>
      %dma_wait3A_314 = tpu.memref_squeeze %dma_wait3A_313 : memref<1x64x128xf32, #tpu.memory_space<vmem>> -> memref<64x128xf32, #tpu.memory_space<vmem>>
      %dma_wait3A_315 = arith.constant 0 : i32
      %dma_wait3A_316 = tpu.memref_slice %arg3[%dma_wait3A_315, %mul3A_23] : memref<64x1000000xf32, #tpu.memory_space<hbm>> -> memref<64x128xf32, #tpu.memory_space<hbm>>
      tpu.wait_dma2 semaphore(%arg8 : memref<!tpu.dma_semaphore, #tpu.memory_space<semaphore_mem>>) src(%dma_wait3A_316 : memref<64x128xf32, #tpu.memory_space<hbm>>) dst(%dma_wait3A_314 : memref<64x128xf32, #tpu.memory_space<vmem>>)
      %broadcast_in_dim3A = vector.broadcast %sub3A_24 : i32 to vector<16xi32>
      %iota3A = tpu.iota {dimensions = array<i32: 0>} : vector<16xi32>
      %add3A_317 = arith.constant 0 : i32
      %add3A_318 = vector.broadcast %add3A_317 : i32 to vector<16xi32>
      %add3A_319 = arith.addi %iota3A, %add3A_318 : vector<16xi32>
      %gather3A = arith.constant 0 : i32
      %gather3A_320 = arith.constant 0 : i32
      %gather3A_321 = arith.constant 0 : i32
      %gather3A_322 = tpu.memref_slice %arg6[%gather3A, %gather3A_320, %gather3A_321] : memref<6x64x128xf32, #tpu.memory_space<vmem>> -> memref<1x64x128xf32, #tpu.memory_space<vmem>>
      %gather3A_323 = tpu.memref_squeeze %gather3A_322 : memref<1x64x128xf32, #tpu.memory_space<vmem>> -> memref<64x128xf32, #tpu.memory_space<vmem>>
      %gather3A_324 = tpu.vector_load_idx %gather3A_323[%add3A_319, %broadcast_in_dim3A] : memref<64x128xf32, #tpu.memory_space<vmem>>[vector<16xi32>, vector<16xi32>], vector<16xf32>,
      %iota3A_325 = tpu.iota {dimensions = array<i32: 0>} : vector<16xi32>
      %add3A_326 = arith.constant 16 : i32
      %add3A_327 = vector.broadcast %add3A_326 : i32 to vector<16xi32>
      %add3A_328 = arith.addi %iota3A_325, %add3A_327 : vector<16xi32>
      %gather3A_329 = arith.constant 0 : i32
      %gather3A_330 = arith.constant 0 : i32
      %gather3A_331 = arith.constant 0 : i32
      %gather3A_332 = tpu.memref_slice %arg6[%gather3A_329, %gather3A_330, %gather3A_331] : memref<6x64x128xf32, #tpu.memory_space<vmem>> -> memref<1x64x128xf32, #tpu.memory_space<vmem>>
      %gather3A_333 = tpu.memref_squeeze %gather3A_332 : memref<1x64x128xf32, #tpu.memory_space<vmem>> -> memref<64x128xf32, #tpu.memory_space<vmem>>
      %gather3A_334 = tpu.vector_load_idx %gather3A_333[%add3A_328, %broadcast_in_dim3A] : memref<64x128xf32, #tpu.memory_space<vmem>>[vector<16xi32>, vector<16xi32>], vector<16xf32>,
      %iota3A_335 = tpu.iota {dimensions = array<i32: 0>} : vector<16xi32>
      %add3A_336 = arith.constant 32 : i32
      %add3A_337 = vector.broadcast %add3A_336 : i32 to vector<16xi32>
      %add3A_338 = arith.addi %iota3A_335, %add3A_337 : vector<16xi32>
      %gather3A_339 = arith.constant 0 : i32
      %gather3A_340 = arith.constant 0 : i32
      %gather3A_341 = arith.constant 0 : i32
      %gather3A_342 = tpu.memref_slice %arg6[%gather3A_339, %gather3A_340, %gather3A_341] : memref<6x64x128xf32, #tpu.memory_space<vmem>> -> memref<1x64x128xf32, #tpu.memory_space<vmem>>
      %gather3A_343 = tpu.memref_squeeze %gather3A_342 : memref<1x64x128xf32, #tpu.memory_space<vmem>> -> memref<64x128xf32, #tpu.memory_space<vmem>>
      %gather3A_344 = tpu.vector_load_idx %gather3A_343[%add3A_338, %broadcast_in_dim3A] : memref<64x128xf32, #tpu.memory_space<vmem>>[vector<16xi32>, vector<16xi32>], vector<16xf32>,
      %iota3A_345 = tpu.iota {dimensions = array<i32: 0>} : vector<16xi32>
      %add3A_346 = arith.constant 48 : i32
      %add3A_347 = vector.broadcast %add3A_346 : i32 to vector<16xi32>
      %add3A_348 = arith.addi %iota3A_345, %add3A_347 : vector<16xi32>
      %gather3A_349 = arith.constant 0 : i32
      %gather3A_350 = arith.constant 0 : i32
      %gather3A_351 = arith.constant 0 : i32
      %gather3A_352 = tpu.memref_slice %arg6[%gather3A_349, %gather3A_350, %gather3A_351] : memref<6x64x128xf32, #tpu.memory_space<vmem>> -> memref<1x64x128xf32, #tpu.memory_space<vmem>>
      %gather3A_353 = tpu.memref_squeeze %gather3A_352 : memref<1x64x128xf32, #tpu.memory_space<vmem>> -> memref<64x128xf32, #tpu.memory_space<vmem>>
      %gather3A_354 = tpu.vector_load_idx %gather3A_353[%add3A_348, %broadcast_in_dim3A] : memref<64x128xf32, #tpu.memory_space<vmem>>[vector<16xi32>, vector<16xi32>], vector<16xf32>,
      %dma_start3A_355 = arith.constant 0 : i32
      %dma_start3A_356 = arith.constant 0 : i32
      %dma_start3A_357 = arith.constant 0 : i32
      %dma_start3A_358 = tpu.memref_slice %arg6[%dma_start3A_355, %dma_start3A_356, %dma_start3A_357] : memref<6x64x128xf32, #tpu.memory_space<vmem>> -> memref<1x64x128xf32, #tpu.memory_space<vmem>>
      %dma_start3A_359 = tpu.memref_squeeze %dma_start3A_358 : memref<1x64x128xf32, #tpu.memory_space<vmem>> -> memref<64x128xf32, #tpu.memory_space<vmem>>
      %dma_start3A_360 = arith.constant 0 : i32
      %dma_start3A_361 = tpu.memref_slice %arg3[%dma_start3A_360, %mul3A_197] : memref<64x1000000xf32, #tpu.memory_space<hbm>> -> memref<64x128xf32, #tpu.memory_space<hbm>>
      %dma_start3A_362 = arith.constant 0 : i32
      %dma_start3A_363 = arith.constant 0 : i32
      %dma_start3A_364 = tpu.memref_slice %arg6[%dma_start3A_355, %dma_start3A_362, %dma_start3A_363] : memref<6x64x128xf32, #tpu.memory_space<vmem>> -> memref<1x64x128xf32, #tpu.memory_space<vmem>>
      %dma_start3A_365 = tpu.memref_squeeze %dma_start3A_364 : memref<1x64x128xf32, #tpu.memory_space<vmem>> -> memref<64x128xf32, #tpu.memory_space<vmem>>
      %dma_start3A_366 = arith.constant 0 : i32
      %dma_start3A_367 = tpu.memref_slice %arg3[%dma_start3A_366, %mul3A_197] : memref<64x1000000xf32, #tpu.memory_space<hbm>> -> memref<64x128xf32, #tpu.memory_space<hbm>>
      tpu.enqueue_dma source(%dma_start3A_367 : memref<64x128xf32, #tpu.memory_space<hbm>>) target(%dma_start3A_365 : memref<64x128xf32, #tpu.memory_space<vmem>>) target_semaphore(%arg8 : memref<!tpu.dma_semaphore, #tpu.memory_space<semaphore_mem>>)
      %dma_wait3A_368 = arith.constant 1 : i32
      %dma_wait3A_369 = arith.constant 0 : i32
      %dma_wait3A_370 = arith.constant 0 : i32
      %dma_wait3A_371 = tpu.memref_slice %arg6[%dma_wait3A_368, %dma_wait3A_369, %dma_wait3A_370] : memref<6x64x128xf32, #tpu.memory_space<vmem>> -> memref<1x64x128xf32, #tpu.memory_space<vmem>>
      %dma_wait3A_372 = tpu.memref_squeeze %dma_wait3A_371 : memref<1x64x128xf32, #tpu.memory_space<vmem>> -> memref<64x128xf32, #tpu.memory_space<vmem>>
      %dma_wait3A_373 = arith.constant 0 : i32
      %dma_wait3A_374 = tpu.memref_slice %arg3[%dma_wait3A_373, %mul3A_52] : memref<64x1000000xf32, #tpu.memory_space<hbm>> -> memref<64x128xf32, #tpu.memory_space<hbm>>
      %dma_wait3A_375 = arith.constant 0 : i32
      %dma_wait3A_376 = arith.constant 0 : i32
      %dma_wait3A_377 = tpu.memref_slice %arg6[%dma_wait3A_368, %dma_wait3A_375, %dma_wait3A_376] : memref<6x64x128xf32, #tpu.memory_space<vmem>> -> memref<1x64x128xf32, #tpu.memory_space<vmem>>
      %dma_wait3A_378 = tpu.memref_squeeze %dma_wait3A_377 : memref<1x64x128xf32, #tpu.memory_space<vmem>> -> memref<64x128xf32, #tpu.memory_space<vmem>>
      %dma_wait3A_379 = arith.constant 0 : i32
      %dma_wait3A_380 = tpu.memref_slice %arg3[%dma_wait3A_379, %mul3A_52] : memref<64x1000000xf32, #tpu.memory_space<hbm>> -> memref<64x128xf32, #tpu.memory_space<hbm>>
      tpu.wait_dma2 semaphore(%arg9 : memref<!tpu.dma_semaphore, #tpu.memory_space<semaphore_mem>>) src(%dma_wait3A_380 : memref<64x128xf32, #tpu.memory_space<hbm>>) dst(%dma_wait3A_378 : memref<64x128xf32, #tpu.memory_space<vmem>>)
      %broadcast_in_dim3A_381 = vector.broadcast %sub3A_53 : i32 to vector<16xi32>
      %iota3A_382 = tpu.iota {dimensions = array<i32: 0>} : vector<16xi32>
      %add3A_383 = arith.constant 0 : i32
      %add3A_384 = vector.broadcast %add3A_383 : i32 to vector<16xi32>
      %add3A_385 = arith.addi %iota3A_382, %add3A_384 : vector<16xi32>
      %gather3A_386 = arith.constant 1 : i32
      %gather3A_387 = arith.constant 0 : i32
      %gather3A_388 = arith.constant 0 : i32
      %gather3A_389 = tpu.memref_slice %arg6[%gather3A_386, %gather3A_387, %gather3A_388] : memref<6x64x128xf32, #tpu.memory_space<vmem>> -> memref<1x64x128xf32, #tpu.memory_space<vmem>>
      %gather3A_390 = tpu.memref_squeeze %gather3A_389 : memref<1x64x128xf32, #tpu.memory_space<vmem>> -> memref<64x128xf32, #tpu.memory_space<vmem>>
      %gather3A_391 = tpu.vector_load_idx %gather3A_390[%add3A_385, %broadcast_in_dim3A_381] : memref<64x128xf32, #tpu.memory_space<vmem>>[vector<16xi32>, vector<16xi32>], vector<16xf32>,
      %max3A = arith.maximumf %gather3A_324, %gather3A_391 : vector<16xf32>
      %iota3A_392 = tpu.iota {dimensions = array<i32: 0>} : vector<16xi32>
      %add3A_393 = arith.constant 16 : i32
      %add3A_394 = vector.broadcast %add3A_393 : i32 to vector<16xi32>
      %add3A_395 = arith.addi %iota3A_392, %add3A_394 : vector<16xi32>
      %gather3A_396 = arith.constant 1 : i32
      %gather3A_397 = arith.constant 0 : i32
      %gather3A_398 = arith.constant 0 : i32
      %gather3A_399 = tpu.memref_slice %arg6[%gather3A_396, %gather3A_397, %gather3A_398] : memref<6x64x128xf32, #tpu.memory_space<vmem>> -> memref<1x64x128xf32, #tpu.memory_space<vmem>>
      %gather3A_400 = tpu.memref_squeeze %gather3A_399 : memref<1x64x128xf32, #tpu.memory_space<vmem>> -> memref<64x128xf32, #tpu.memory_space<vmem>>
      %gather3A_401 = tpu.vector_load_idx %gather3A_400[%add3A_395, %broadcast_in_dim3A_381] : memref<64x128xf32, #tpu.memory_space<vmem>>[vector<16xi32>, vector<16xi32>], vector<16xf32>,
      %max3A_402 = arith.maximumf %gather3A_334, %gather3A_401 : vector<16xf32>
      %iota3A_403 = tpu.iota {dimensions = array<i32: 0>} : vector<16xi32>
      %add3A_404 = arith.constant 32 : i32
      %add3A_405 = vector.broadcast %add3A_404 : i32 to vector<16xi32>
      %add3A_406 = arith.addi %iota3A_403, %add3A_405 : vector<16xi32>
      %gather3A_407 = arith.constant 1 : i32
      %gather3A_408 = arith.constant 0 : i32
      %gather3A_409 = arith.constant 0 : i32
      %gather3A_410 = tpu.memref_slice %arg6[%gather3A_407, %gather3A_408, %gather3A_409] : memref<6x64x128xf32, #tpu.memory_space<vmem>> -> memref<1x64x128xf32, #tpu.memory_space<vmem>>
      %gather3A_411 = tpu.memref_squeeze %gather3A_410 : memref<1x64x128xf32, #tpu.memory_space<vmem>> -> memref<64x128xf32, #tpu.memory_space<vmem>>
      %gather3A_412 = tpu.vector_load_idx %gather3A_411[%add3A_406, %broadcast_in_dim3A_381] : memref<64x128xf32, #tpu.memory_space<vmem>>[vector<16xi32>, vector<16xi32>], vector<16xf32>,
      %max3A_413 = arith.maximumf %gather3A_344, %gather3A_412 : vector<16xf32>
      %iota3A_414 = tpu.iota {dimensions = array<i32: 0>} : vector<16xi32>
      %add3A_415 = arith.constant 48 : i32
      %add3A_416 = vector.broadcast %add3A_415 : i32 to vector<16xi32>
      %add3A_417 = arith.addi %iota3A_414, %add3A_416 : vector<16xi32>
      %gather3A_418 = arith.constant 1 : i32
      %gather3A_419 = arith.constant 0 : i32
      %gather3A_420 = arith.constant 0 : i32
      %gather3A_421 = tpu.memref_slice %arg6[%gather3A_418, %gather3A_419, %gather3A_420] : memref<6x64x128xf32, #tpu.memory_space<vmem>> -> memref<1x64x128xf32, #tpu.memory_space<vmem>>
      %gather3A_422 = tpu.memref_squeeze %gather3A_421 : memref<1x64x128xf32, #tpu.memory_space<vmem>> -> memref<64x128xf32, #tpu.memory_space<vmem>>
      %gather3A_423 = tpu.vector_load_idx %gather3A_422[%add3A_417, %broadcast_in_dim3A_381] : memref<64x128xf32, #tpu.memory_space<vmem>>[vector<16xi32>, vector<16xi32>], vector<16xf32>,
      %max3A_424 = arith.maximumf %gather3A_354, %gather3A_423 : vector<16xf32>
      %dma_start3A_425 = arith.constant 1 : i32
      %dma_start3A_426 = arith.constant 0 : i32
      %dma_start3A_427 = arith.constant 0 : i32
      %dma_start3A_428 = tpu.memref_slice %arg6[%dma_start3A_425, %dma_start3A_426, %dma_start3A_427] : memref<6x64x128xf32, #tpu.memory_space<vmem>> -> memref<1x64x128xf32, #tpu.memory_space<vmem>>
      %dma_start3A_429 = tpu.memref_squeeze %dma_start3A_428 : memref<1x64x128xf32, #tpu.memory_space<vmem>> -> memref<64x128xf32, #tpu.memory_space<vmem>>
      %dma_start3A_430 = arith.constant 0 : i32
      %dma_start3A_431 = tpu.memref_slice %arg3[%dma_start3A_430, %mul3A_226] : memref<64x1000000xf32, #tpu.memory_space<hbm>> -> memref<64x128xf32, #tpu.memory_space<hbm>>
      %dma_start3A_432 = arith.constant 0 : i32
      %dma_start3A_433 = arith.constant 0 : i32
      %dma_start3A_434 = tpu.memref_slice %arg6[%dma_start3A_425, %dma_start3A_432, %dma_start3A_433] : memref<6x64x128xf32, #tpu.memory_space<vmem>> -> memref<1x64x128xf32, #tpu.memory_space<vmem>>
      %dma_start3A_435 = tpu.memref_squeeze %dma_start3A_434 : memref<1x64x128xf32, #tpu.memory_space<vmem>> -> memref<64x128xf32, #tpu.memory_space<vmem>>
      %dma_start3A_436 = arith.constant 0 : i32
      %dma_start3A_437 = tpu.memref_slice %arg3[%dma_start3A_436, %mul3A_226] : memref<64x1000000xf32, #tpu.memory_space<hbm>> -> memref<64x128xf32, #tpu.memory_space<hbm>>
      tpu.enqueue_dma source(%dma_start3A_437 : memref<64x128xf32, #tpu.memory_space<hbm>>) target(%dma_start3A_435 : memref<64x128xf32, #tpu.memory_space<vmem>>) target_semaphore(%arg9 : memref<!tpu.dma_semaphore, #tpu.memory_space<semaphore_mem>>)
      %dma_wait3A_438 = arith.constant 2 : i32
      %dma_wait3A_439 = arith.constant 0 : i32
      %dma_wait3A_440 = arith.constant 0 : i32
      %dma_wait3A_441 = tpu.memref_slice %arg6[%dma_wait3A_438, %dma_wait3A_439, %dma_wait3A_440] : memref<6x64x128xf32, #tpu.memory_space<vmem>> -> memref<1x64x128xf32, #tpu.memory_space<vmem>>
      %dma_wait3A_442 = tpu.memref_squeeze %dma_wait3A_441 : memref<1x64x128xf32, #tpu.memory_space<vmem>> -> memref<64x128xf32, #tpu.memory_space<vmem>>
      %dma_wait3A_443 = arith.constant 0 : i32
      %dma_wait3A_444 = tpu.memref_slice %arg3[%dma_wait3A_443, %mul3A_81] : memref<64x1000000xf32, #tpu.memory_space<hbm>> -> memref<64x128xf32, #tpu.memory_space<hbm>>
      %dma_wait3A_445 = arith.constant 0 : i32
      %dma_wait3A_446 = arith.constant 0 : i32
      %dma_wait3A_447 = tpu.memref_slice %arg6[%dma_wait3A_438, %dma_wait3A_445, %dma_wait3A_446] : memref<6x64x128xf32, #tpu.memory_space<vmem>> -> memref<1x64x128xf32, #tpu.memory_space<vmem>>
      %dma_wait3A_448 = tpu.memref_squeeze %dma_wait3A_447 : memref<1x64x128xf32, #tpu.memory_space<vmem>> -> memref<64x128xf32, #tpu.memory_space<vmem>>
      %dma_wait3A_449 = arith.constant 0 : i32
      %dma_wait3A_450 = tpu.memref_slice %arg3[%dma_wait3A_449, %mul3A_81] : memref<64x1000000xf32, #tpu.memory_space<hbm>> -> memref<64x128xf32, #tpu.memory_space<hbm>>
      tpu.wait_dma2 semaphore(%arg10 : memref<!tpu.dma_semaphore, #tpu.memory_space<semaphore_mem>>) src(%dma_wait3A_450 : memref<64x128xf32, #tpu.memory_space<hbm>>) dst(%dma_wait3A_448 : memref<64x128xf32, #tpu.memory_space<vmem>>)
      %broadcast_in_dim3A_451 = vector.broadcast %sub3A_82 : i32 to vector<16xi32>
      %iota3A_452 = tpu.iota {dimensions = array<i32: 0>} : vector<16xi32>
      %add3A_453 = arith.constant 0 : i32
      %add3A_454 = vector.broadcast %add3A_453 : i32 to vector<16xi32>
      %add3A_455 = arith.addi %iota3A_452, %add3A_454 : vector<16xi32>
      %gather3A_456 = arith.constant 2 : i32
      %gather3A_457 = arith.constant 0 : i32
      %gather3A_458 = arith.constant 0 : i32
      %gather3A_459 = tpu.memref_slice %arg6[%gather3A_456, %gather3A_457, %gather3A_458] : memref<6x64x128xf32, #tpu.memory_space<vmem>> -> memref<1x64x128xf32, #tpu.memory_space<vmem>>
      %gather3A_460 = tpu.memref_squeeze %gather3A_459 : memref<1x64x128xf32, #tpu.memory_space<vmem>> -> memref<64x128xf32, #tpu.memory_space<vmem>>
      %gather3A_461 = tpu.vector_load_idx %gather3A_460[%add3A_455, %broadcast_in_dim3A_451] : memref<64x128xf32, #tpu.memory_space<vmem>>[vector<16xi32>, vector<16xi32>], vector<16xf32>,
      %max3A_462 = arith.maximumf %max3A, %gather3A_461 : vector<16xf32>
      %iota3A_463 = tpu.iota {dimensions = array<i32: 0>} : vector<16xi32>
      %add3A_464 = arith.constant 16 : i32
      %add3A_465 = vector.broadcast %add3A_464 : i32 to vector<16xi32>
      %add3A_466 = arith.addi %iota3A_463, %add3A_465 : vector<16xi32>
      %gather3A_467 = arith.constant 2 : i32
      %gather3A_468 = arith.constant 0 : i32
      %gather3A_469 = arith.constant 0 : i32
      %gather3A_470 = tpu.memref_slice %arg6[%gather3A_467, %gather3A_468, %gather3A_469] : memref<6x64x128xf32, #tpu.memory_space<vmem>> -> memref<1x64x128xf32, #tpu.memory_space<vmem>>
      %gather3A_471 = tpu.memref_squeeze %gather3A_470 : memref<1x64x128xf32, #tpu.memory_space<vmem>> -> memref<64x128xf32, #tpu.memory_space<vmem>>
      %gather3A_472 = tpu.vector_load_idx %gather3A_471[%add3A_466, %broadcast_in_dim3A_451] : memref<64x128xf32, #tpu.memory_space<vmem>>[vector<16xi32>, vector<16xi32>], vector<16xf32>,
      %max3A_473 = arith.maximumf %max3A_402, %gather3A_472 : vector<16xf32>
      %iota3A_474 = tpu.iota {dimensions = array<i32: 0>} : vector<16xi32>
      %add3A_475 = arith.constant 32 : i32
      %add3A_476 = vector.broadcast %add3A_475 : i32 to vector<16xi32>
      %add3A_477 = arith.addi %iota3A_474, %add3A_476 : vector<16xi32>
      %gather3A_478 = arith.constant 2 : i32
      %gather3A_479 = arith.constant 0 : i32
      %gather3A_480 = arith.constant 0 : i32
      %gather3A_481 = tpu.memref_slice %arg6[%gather3A_478, %gather3A_479, %gather3A_480] : memref<6x64x128xf32, #tpu.memory_space<vmem>> -> memref<1x64x128xf32, #tpu.memory_space<vmem>>
      %gather3A_482 = tpu.memref_squeeze %gather3A_481 : memref<1x64x128xf32, #tpu.memory_space<vmem>> -> memref<64x128xf32, #tpu.memory_space<vmem>>
      %gather3A_483 = tpu.vector_load_idx %gather3A_482[%add3A_477, %broadcast_in_dim3A_451] : memref<64x128xf32, #tpu.memory_space<vmem>>[vector<16xi32>, vector<16xi32>], vector<16xf32>,
      %max3A_484 = arith.maximumf %max3A_413, %gather3A_483 : vector<16xf32>
      %iota3A_485 = tpu.iota {dimensions = array<i32: 0>} : vector<16xi32>
      %add3A_486 = arith.constant 48 : i32
      %add3A_487 = vector.broadcast %add3A_486 : i32 to vector<16xi32>
      %add3A_488 = arith.addi %iota3A_485, %add3A_487 : vector<16xi32>
      %gather3A_489 = arith.constant 2 : i32
      %gather3A_490 = arith.constant 0 : i32
      %gather3A_491 = arith.constant 0 : i32
      %gather3A_492 = tpu.memref_slice %arg6[%gather3A_489, %gather3A_490, %gather3A_491] : memref<6x64x128xf32, #tpu.memory_space<vmem>> -> memref<1x64x128xf32, #tpu.memory_space<vmem>>
      %gather3A_493 = tpu.memref_squeeze %gather3A_492 : memref<1x64x128xf32, #tpu.memory_space<vmem>> -> memref<64x128xf32, #tpu.memory_space<vmem>>
      %gather3A_494 = tpu.vector_load_idx %gather3A_493[%add3A_488, %broadcast_in_dim3A_451] : memref<64x128xf32, #tpu.memory_space<vmem>>[vector<16xi32>, vector<16xi32>], vector<16xf32>,
      %max3A_495 = arith.maximumf %max3A_424, %gather3A_494 : vector<16xf32>
      %dma_wait3A_496 = arith.constant 3 : i32
      %dma_wait3A_497 = arith.constant 0 : i32
      %dma_wait3A_498 = arith.constant 0 : i32
      %dma_wait3A_499 = tpu.memref_slice %arg6[%dma_wait3A_496, %dma_wait3A_497, %dma_wait3A_498] : memref<6x64x128xf32, #tpu.memory_space<vmem>> -> memref<1x64x128xf32, #tpu.memory_space<vmem>>
      %dma_wait3A_500 = tpu.memref_squeeze %dma_wait3A_499 : memref<1x64x128xf32, #tpu.memory_space<vmem>> -> memref<64x128xf32, #tpu.memory_space<vmem>>
      %dma_wait3A_501 = arith.constant 0 : i32
      %dma_wait3A_502 = tpu.memref_slice %arg3[%dma_wait3A_501, %mul3A_110] : memref<64x1000000xf32, #tpu.memory_space<hbm>> -> memref<64x128xf32, #tpu.memory_space<hbm>>
      %dma_wait3A_503 = arith.constant 0 : i32
      %dma_wait3A_504 = arith.constant 0 : i32
      %dma_wait3A_505 = tpu.memref_slice %arg6[%dma_wait3A_496, %dma_wait3A_503, %dma_wait3A_504] : memref<6x64x128xf32, #tpu.memory_space<vmem>> -> memref<1x64x128xf32, #tpu.memory_space<vmem>>
      %dma_wait3A_506 = tpu.memref_squeeze %dma_wait3A_505 : memref<1x64x128xf32, #tpu.memory_space<vmem>> -> memref<64x128xf32, #tpu.memory_space<vmem>>
      %dma_wait3A_507 = arith.constant 0 : i32
      %dma_wait3A_508 = tpu.memref_slice %arg3[%dma_wait3A_507, %mul3A_110] : memref<64x1000000xf32, #tpu.memory_space<hbm>> -> memref<64x128xf32, #tpu.memory_space<hbm>>
      tpu.wait_dma2 semaphore(%arg11 : memref<!tpu.dma_semaphore, #tpu.memory_space<semaphore_mem>>) src(%dma_wait3A_508 : memref<64x128xf32, #tpu.memory_space<hbm>>) dst(%dma_wait3A_506 : memref<64x128xf32, #tpu.memory_space<vmem>>)
      %broadcast_in_dim3A_509 = vector.broadcast %sub3A_111 : i32 to vector<16xi32>
      %iota3A_510 = tpu.iota {dimensions = array<i32: 0>} : vector<16xi32>
      %add3A_511 = arith.constant 0 : i32
      %add3A_512 = vector.broadcast %add3A_511 : i32 to vector<16xi32>
      %add3A_513 = arith.addi %iota3A_510, %add3A_512 : vector<16xi32>
      %gather3A_514 = arith.constant 3 : i32
      %gather3A_515 = arith.constant 0 : i32
      %gather3A_516 = arith.constant 0 : i32
      %gather3A_517 = tpu.memref_slice %arg6[%gather3A_514, %gather3A_515, %gather3A_516] : memref<6x64x128xf32, #tpu.memory_space<vmem>> -> memref<1x64x128xf32, #tpu.memory_space<vmem>>
      %gather3A_518 = tpu.memref_squeeze %gather3A_517 : memref<1x64x128xf32, #tpu.memory_space<vmem>> -> memref<64x128xf32, #tpu.memory_space<vmem>>
      %gather3A_519 = tpu.vector_load_idx %gather3A_518[%add3A_513, %broadcast_in_dim3A_509] : memref<64x128xf32, #tpu.memory_space<vmem>>[vector<16xi32>, vector<16xi32>], vector<16xf32>,
      %max3A_520 = arith.maximumf %max3A_462, %gather3A_519 : vector<16xf32>
      %iota3A_521 = tpu.iota {dimensions = array<i32: 0>} : vector<16xi32>
      %add3A_522 = arith.constant 16 : i32
      %add3A_523 = vector.broadcast %add3A_522 : i32 to vector<16xi32>
      %add3A_524 = arith.addi %iota3A_521, %add3A_523 : vector<16xi32>
      %gather3A_525 = arith.constant 3 : i32
      %gather3A_526 = arith.constant 0 : i32
      %gather3A_527 = arith.constant 0 : i32
      %gather3A_528 = tpu.memref_slice %arg6[%gather3A_525, %gather3A_526, %gather3A_527] : memref<6x64x128xf32, #tpu.memory_space<vmem>> -> memref<1x64x128xf32, #tpu.memory_space<vmem>>
      %gather3A_529 = tpu.memref_squeeze %gather3A_528 : memref<1x64x128xf32, #tpu.memory_space<vmem>> -> memref<64x128xf32, #tpu.memory_space<vmem>>
      %gather3A_530 = tpu.vector_load_idx %gather3A_529[%add3A_524, %broadcast_in_dim3A_509] : memref<64x128xf32, #tpu.memory_space<vmem>>[vector<16xi32>, vector<16xi32>], vector<16xf32>,
      %max3A_531 = arith.maximumf %max3A_473, %gather3A_530 : vector<16xf32>
      %iota3A_532 = tpu.iota {dimensions = array<i32: 0>} : vector<16xi32>
      %add3A_533 = arith.constant 32 : i32
      %add3A_534 = vector.broadcast %add3A_533 : i32 to vector<16xi32>
      %add3A_535 = arith.addi %iota3A_532, %add3A_534 : vector<16xi32>
      %gather3A_536 = arith.constant 3 : i32
      %gather3A_537 = arith.constant 0 : i32
      %gather3A_538 = arith.constant 0 : i32
      %gather3A_539 = tpu.memref_slice %arg6[%gather3A_536, %gather3A_537, %gather3A_538] : memref<6x64x128xf32, #tpu.memory_space<vmem>> -> memref<1x64x128xf32, #tpu.memory_space<vmem>>
      %gather3A_540 = tpu.memref_squeeze %gather3A_539 : memref<1x64x128xf32, #tpu.memory_space<vmem>> -> memref<64x128xf32, #tpu.memory_space<vmem>>
      %gather3A_541 = tpu.vector_load_idx %gather3A_540[%add3A_535, %broadcast_in_dim3A_509] : memref<64x128xf32, #tpu.memory_space<vmem>>[vector<16xi32>, vector<16xi32>], vector<16xf32>,
      %max3A_542 = arith.maximumf %max3A_484, %gather3A_541 : vector<16xf32>
      %iota3A_543 = tpu.iota {dimensions = array<i32: 0>} : vector<16xi32>
      %add3A_544 = arith.constant 48 : i32
      %add3A_545 = vector.broadcast %add3A_544 : i32 to vector<16xi32>
      %add3A_546 = arith.addi %iota3A_543, %add3A_545 : vector<16xi32>
      %gather3A_547 = arith.constant 3 : i32
      %gather3A_548 = arith.constant 0 : i32
      %gather3A_549 = arith.constant 0 : i32
      %gather3A_550 = tpu.memref_slice %arg6[%gather3A_547, %gather3A_548, %gather3A_549] : memref<6x64x128xf32, #tpu.memory_space<vmem>> -> memref<1x64x128xf32, #tpu.memory_space<vmem>>
      %gather3A_551 = tpu.memref_squeeze %gather3A_550 : memref<1x64x128xf32, #tpu.memory_space<vmem>> -> memref<64x128xf32, #tpu.memory_space<vmem>>
      %gather3A_552 = tpu.vector_load_idx %gather3A_551[%add3A_546, %broadcast_in_dim3A_509] : memref<64x128xf32, #tpu.memory_space<vmem>>[vector<16xi32>, vector<16xi32>], vector<16xf32>,
      %max3A_553 = arith.maximumf %max3A_495, %gather3A_552 : vector<16xf32>
      %dma_wait3A_554 = arith.constant 4 : i32
      %dma_wait3A_555 = arith.constant 0 : i32
      %dma_wait3A_556 = arith.constant 0 : i32
      %dma_wait3A_557 = tpu.memref_slice %arg6[%dma_wait3A_554, %dma_wait3A_555, %dma_wait3A_556] : memref<6x64x128xf32, #tpu.memory_space<vmem>> -> memref<1x64x128xf32, #tpu.memory_space<vmem>>
      %dma_wait3A_558 = tpu.memref_squeeze %dma_wait3A_557 : memref<1x64x128xf32, #tpu.memory_space<vmem>> -> memref<64x128xf32, #tpu.memory_space<vmem>>
      %dma_wait3A_559 = arith.constant 0 : i32
      %dma_wait3A_560 = tpu.memref_slice %arg3[%dma_wait3A_559, %mul3A_139] : memref<64x1000000xf32, #tpu.memory_space<hbm>> -> memref<64x128xf32, #tpu.memory_space<hbm>>
      %dma_wait3A_561 = arith.constant 0 : i32
      %dma_wait3A_562 = arith.constant 0 : i32
      %dma_wait3A_563 = tpu.memref_slice %arg6[%dma_wait3A_554, %dma_wait3A_561, %dma_wait3A_562] : memref<6x64x128xf32, #tpu.memory_space<vmem>> -> memref<1x64x128xf32, #tpu.memory_space<vmem>>
      %dma_wait3A_564 = tpu.memref_squeeze %dma_wait3A_563 : memref<1x64x128xf32, #tpu.memory_space<vmem>> -> memref<64x128xf32, #tpu.memory_space<vmem>>
      %dma_wait3A_565 = arith.constant 0 : i32
      %dma_wait3A_566 = tpu.memref_slice %arg3[%dma_wait3A_565, %mul3A_139] : memref<64x1000000xf32, #tpu.memory_space<hbm>> -> memref<64x128xf32, #tpu.memory_space<hbm>>
      tpu.wait_dma2 semaphore(%arg12 : memref<!tpu.dma_semaphore, #tpu.memory_space<semaphore_mem>>) src(%dma_wait3A_566 : memref<64x128xf32, #tpu.memory_space<hbm>>) dst(%dma_wait3A_564 : memref<64x128xf32, #tpu.memory_space<vmem>>)
      %broadcast_in_dim3A_567 = vector.broadcast %sub3A_140 : i32 to vector<16xi32>
      %iota3A_568 = tpu.iota {dimensions = array<i32: 0>} : vector<16xi32>
      %add3A_569 = arith.constant 0 : i32
      %add3A_570 = vector.broadcast %add3A_569 : i32 to vector<16xi32>
      %add3A_571 = arith.addi %iota3A_568, %add3A_570 : vector<16xi32>
      %gather3A_572 = arith.constant 4 : i32
      %gather3A_573 = arith.constant 0 : i32
      %gather3A_574 = arith.constant 0 : i32
      %gather3A_575 = tpu.memref_slice %arg6[%gather3A_572, %gather3A_573, %gather3A_574] : memref<6x64x128xf32, #tpu.memory_space<vmem>> -> memref<1x64x128xf32, #tpu.memory_space<vmem>>
      %gather3A_576 = tpu.memref_squeeze %gather3A_575 : memref<1x64x128xf32, #tpu.memory_space<vmem>> -> memref<64x128xf32, #tpu.memory_space<vmem>>
      %gather3A_577 = tpu.vector_load_idx %gather3A_576[%add3A_571, %broadcast_in_dim3A_567] : memref<64x128xf32, #tpu.memory_space<vmem>>[vector<16xi32>, vector<16xi32>], vector<16xf32>,
      %max3A_578 = arith.maximumf %max3A_520, %gather3A_577 : vector<16xf32>
      %iota3A_579 = tpu.iota {dimensions = array<i32: 0>} : vector<16xi32>
      %add3A_580 = arith.constant 16 : i32
      %add3A_581 = vector.broadcast %add3A_580 : i32 to vector<16xi32>
      %add3A_582 = arith.addi %iota3A_579, %add3A_581 : vector<16xi32>
      %gather3A_583 = arith.constant 4 : i32
      %gather3A_584 = arith.constant 0 : i32
      %gather3A_585 = arith.constant 0 : i32
      %gather3A_586 = tpu.memref_slice %arg6[%gather3A_583, %gather3A_584, %gather3A_585] : memref<6x64x128xf32, #tpu.memory_space<vmem>> -> memref<1x64x128xf32, #tpu.memory_space<vmem>>
      %gather3A_587 = tpu.memref_squeeze %gather3A_586 : memref<1x64x128xf32, #tpu.memory_space<vmem>> -> memref<64x128xf32, #tpu.memory_space<vmem>>
      %gather3A_588 = tpu.vector_load_idx %gather3A_587[%add3A_582, %broadcast_in_dim3A_567] : memref<64x128xf32, #tpu.memory_space<vmem>>[vector<16xi32>, vector<16xi32>], vector<16xf32>,
      %max3A_589 = arith.maximumf %max3A_531, %gather3A_588 : vector<16xf32>
      %iota3A_590 = tpu.iota {dimensions = array<i32: 0>} : vector<16xi32>
      %add3A_591 = arith.constant 32 : i32
      %add3A_592 = vector.broadcast %add3A_591 : i32 to vector<16xi32>
      %add3A_593 = arith.addi %iota3A_590, %add3A_592 : vector<16xi32>
      %gather3A_594 = arith.constant 4 : i32
      %gather3A_595 = arith.constant 0 : i32
      %gather3A_596 = arith.constant 0 : i32
      %gather3A_597 = tpu.memref_slice %arg6[%gather3A_594, %gather3A_595, %gather3A_596] : memref<6x64x128xf32, #tpu.memory_space<vmem>> -> memref<1x64x128xf32, #tpu.memory_space<vmem>>
      %gather3A_598 = tpu.memref_squeeze %gather3A_597 : memref<1x64x128xf32, #tpu.memory_space<vmem>> -> memref<64x128xf32, #tpu.memory_space<vmem>>
      %gather3A_599 = tpu.vector_load_idx %gather3A_598[%add3A_593, %broadcast_in_dim3A_567] : memref<64x128xf32, #tpu.memory_space<vmem>>[vector<16xi32>, vector<16xi32>], vector<16xf32>,
      %max3A_600 = arith.maximumf %max3A_542, %gather3A_599 : vector<16xf32>
      %iota3A_601 = tpu.iota {dimensions = array<i32: 0>} : vector<16xi32>
      %add3A_602 = arith.constant 48 : i32
      %add3A_603 = vector.broadcast %add3A_602 : i32 to vector<16xi32>
      %add3A_604 = arith.addi %iota3A_601, %add3A_603 : vector<16xi32>
      %gather3A_605 = arith.constant 4 : i32
      %gather3A_606 = arith.constant 0 : i32
      %gather3A_607 = arith.constant 0 : i32
      %gather3A_608 = tpu.memref_slice %arg6[%gather3A_605, %gather3A_606, %gather3A_607] : memref<6x64x128xf32, #tpu.memory_space<vmem>> -> memref<1x64x128xf32, #tpu.memory_space<vmem>>
      %gather3A_609 = tpu.memref_squeeze %gather3A_608 : memref<1x64x128xf32, #tpu.memory_space<vmem>> -> memref<64x128xf32, #tpu.memory_space<vmem>>
      %gather3A_610 = tpu.vector_load_idx %gather3A_609[%add3A_604, %broadcast_in_dim3A_567] : memref<64x128xf32, #tpu.memory_space<vmem>>[vector<16xi32>, vector<16xi32>], vector<16xf32>,
      %max3A_611 = arith.maximumf %max3A_553, %gather3A_610 : vector<16xf32>
      %dma_wait3A_612 = arith.constant 5 : i32
      %dma_wait3A_613 = arith.constant 0 : i32
      %dma_wait3A_614 = arith.constant 0 : i32
      %dma_wait3A_615 = tpu.memref_slice %arg6[%dma_wait3A_612, %dma_wait3A_613, %dma_wait3A_614] : memref<6x64x128xf32, #tpu.memory_space<vmem>> -> memref<1x64x128xf32, #tpu.memory_space<vmem>>
      %dma_wait3A_616 = tpu.memref_squeeze %dma_wait3A_615 : memref<1x64x128xf32, #tpu.memory_space<vmem>> -> memref<64x128xf32, #tpu.memory_space<vmem>>
      %dma_wait3A_617 = arith.constant 0 : i32
      %dma_wait3A_618 = tpu.memref_slice %arg3[%dma_wait3A_617, %mul3A_168] : memref<64x1000000xf32, #tpu.memory_space<hbm>> -> memref<64x128xf32, #tpu.memory_space<hbm>>
      %dma_wait3A_619 = arith.constant 0 : i32
      %dma_wait3A_620 = arith.constant 0 : i32
      %dma_wait3A_621 = tpu.memref_slice %arg6[%dma_wait3A_612, %dma_wait3A_619, %dma_wait3A_620] : memref<6x64x128xf32, #tpu.memory_space<vmem>> -> memref<1x64x128xf32, #tpu.memory_space<vmem>>
      %dma_wait3A_622 = tpu.memref_squeeze %dma_wait3A_621 : memref<1x64x128xf32, #tpu.memory_space<vmem>> -> memref<64x128xf32, #tpu.memory_space<vmem>>
      %dma_wait3A_623 = arith.constant 0 : i32
      %dma_wait3A_624 = tpu.memref_slice %arg3[%dma_wait3A_623, %mul3A_168] : memref<64x1000000xf32, #tpu.memory_space<hbm>> -> memref<64x128xf32, #tpu.memory_space<hbm>>
      tpu.wait_dma2 semaphore(%arg13 : memref<!tpu.dma_semaphore, #tpu.memory_space<semaphore_mem>>) src(%dma_wait3A_624 : memref<64x128xf32, #tpu.memory_space<hbm>>) dst(%dma_wait3A_622 : memref<64x128xf32, #tpu.memory_space<vmem>>)
      %broadcast_in_dim3A_625 = vector.broadcast %sub3A_169 : i32 to vector<16xi32>
      %iota3A_626 = tpu.iota {dimensions = array<i32: 0>} : vector<16xi32>
      %add3A_627 = arith.constant 0 : i32
      %add3A_628 = vector.broadcast %add3A_627 : i32 to vector<16xi32>
      %add3A_629 = arith.addi %iota3A_626, %add3A_628 : vector<16xi32>
      %gather3A_630 = arith.constant 5 : i32
      %gather3A_631 = arith.constant 0 : i32
      %gather3A_632 = arith.constant 0 : i32
      %gather3A_633 = tpu.memref_slice %arg6[%gather3A_630, %gather3A_631, %gather3A_632] : memref<6x64x128xf32, #tpu.memory_space<vmem>> -> memref<1x64x128xf32, #tpu.memory_space<vmem>>
      %gather3A_634 = tpu.memref_squeeze %gather3A_633 : memref<1x64x128xf32, #tpu.memory_space<vmem>> -> memref<64x128xf32, #tpu.memory_space<vmem>>
      %gather3A_635 = tpu.vector_load_idx %gather3A_634[%add3A_629, %broadcast_in_dim3A_625] : memref<64x128xf32, #tpu.memory_space<vmem>>[vector<16xi32>, vector<16xi32>], vector<16xf32>,
      %max3A_636 = arith.maximumf %max3A_578, %gather3A_635 : vector<16xf32>
      %iota3A_637 = tpu.iota {dimensions = array<i32: 0>} : vector<16xi32>
      %add3A_638 = arith.constant 16 : i32
      %add3A_639 = vector.broadcast %add3A_638 : i32 to vector<16xi32>
      %add3A_640 = arith.addi %iota3A_637, %add3A_639 : vector<16xi32>
      %gather3A_641 = arith.constant 5 : i32
      %gather3A_642 = arith.constant 0 : i32
      %gather3A_643 = arith.constant 0 : i32
      %gather3A_644 = tpu.memref_slice %arg6[%gather3A_641, %gather3A_642, %gather3A_643] : memref<6x64x128xf32, #tpu.memory_space<vmem>> -> memref<1x64x128xf32, #tpu.memory_space<vmem>>
      %gather3A_645 = tpu.memref_squeeze %gather3A_644 : memref<1x64x128xf32, #tpu.memory_space<vmem>> -> memref<64x128xf32, #tpu.memory_space<vmem>>
      %gather3A_646 = tpu.vector_load_idx %gather3A_645[%add3A_640, %broadcast_in_dim3A_625] : memref<64x128xf32, #tpu.memory_space<vmem>>[vector<16xi32>, vector<16xi32>], vector<16xf32>,
      %max3A_647 = arith.maximumf %max3A_589, %gather3A_646 : vector<16xf32>
      %iota3A_648 = tpu.iota {dimensions = array<i32: 0>} : vector<16xi32>
      %add3A_649 = arith.constant 32 : i32
      %add3A_650 = vector.broadcast %add3A_649 : i32 to vector<16xi32>
      %add3A_651 = arith.addi %iota3A_648, %add3A_650 : vector<16xi32>
      %gather3A_652 = arith.constant 5 : i32
      %gather3A_653 = arith.constant 0 : i32
      %gather3A_654 = arith.constant 0 : i32
      %gather3A_655 = tpu.memref_slice %arg6[%gather3A_652, %gather3A_653, %gather3A_654] : memref<6x64x128xf32, #tpu.memory_space<vmem>> -> memref<1x64x128xf32, #tpu.memory_space<vmem>>
      %gather3A_656 = tpu.memref_squeeze %gather3A_655 : memref<1x64x128xf32, #tpu.memory_space<vmem>> -> memref<64x128xf32, #tpu.memory_space<vmem>>
      %gather3A_657 = tpu.vector_load_idx %gather3A_656[%add3A_651, %broadcast_in_dim3A_625] : memref<64x128xf32, #tpu.memory_space<vmem>>[vector<16xi32>, vector<16xi32>], vector<16xf32>,
      %max3A_658 = arith.maximumf %max3A_600, %gather3A_657 : vector<16xf32>
      %iota3A_659 = tpu.iota {dimensions = array<i32: 0>} : vector<16xi32>
      %add3A_660 = arith.constant 48 : i32
      %add3A_661 = vector.broadcast %add3A_660 : i32 to vector<16xi32>
      %add3A_662 = arith.addi %iota3A_659, %add3A_661 : vector<16xi32>
      %gather3A_663 = arith.constant 5 : i32
      %gather3A_664 = arith.constant 0 : i32
      %gather3A_665 = arith.constant 0 : i32
      %gather3A_666 = tpu.memref_slice %arg6[%gather3A_663, %gather3A_664, %gather3A_665] : memref<6x64x128xf32, #tpu.memory_space<vmem>> -> memref<1x64x128xf32, #tpu.memory_space<vmem>>
      %gather3A_667 = tpu.memref_squeeze %gather3A_666 : memref<1x64x128xf32, #tpu.memory_space<vmem>> -> memref<64x128xf32, #tpu.memory_space<vmem>>
      %gather3A_668 = tpu.vector_load_idx %gather3A_667[%add3A_662, %broadcast_in_dim3A_625] : memref<64x128xf32, #tpu.memory_space<vmem>>[vector<16xi32>, vector<16xi32>], vector<16xf32>,
      %max3A_669 = arith.maximumf %max3A_611, %gather3A_668 : vector<16xf32>
      %dma_wait3A_670 = arith.constant 0 : i32
      %dma_wait3A_671 = arith.constant 0 : i32
      %dma_wait3A_672 = arith.constant 0 : i32
      %dma_wait3A_673 = tpu.memref_slice %arg6[%dma_wait3A_670, %dma_wait3A_671, %dma_wait3A_672] : memref<6x64x128xf32, #tpu.memory_space<vmem>> -> memref<1x64x128xf32, #tpu.memory_space<vmem>>
      %dma_wait3A_674 = tpu.memref_squeeze %dma_wait3A_673 : memref<1x64x128xf32, #tpu.memory_space<vmem>> -> memref<64x128xf32, #tpu.memory_space<vmem>>
      %dma_wait3A_675 = arith.constant 0 : i32
      %dma_wait3A_676 = tpu.memref_slice %arg3[%dma_wait3A_675, %mul3A_197] : memref<64x1000000xf32, #tpu.memory_space<hbm>> -> memref<64x128xf32, #tpu.memory_space<hbm>>
      %dma_wait3A_677 = arith.constant 0 : i32
      %dma_wait3A_678 = arith.constant 0 : i32
      %dma_wait3A_679 = tpu.memref_slice %arg6[%dma_wait3A_670, %dma_wait3A_677, %dma_wait3A_678] : memref<6x64x128xf32, #tpu.memory_space<vmem>> -> memref<1x64x128xf32, #tpu.memory_space<vmem>>
      %dma_wait3A_680 = tpu.memref_squeeze %dma_wait3A_679 : memref<1x64x128xf32, #tpu.memory_space<vmem>> -> memref<64x128xf32, #tpu.memory_space<vmem>>
      %dma_wait3A_681 = arith.constant 0 : i32
      %dma_wait3A_682 = tpu.memref_slice %arg3[%dma_wait3A_681, %mul3A_197] : memref<64x1000000xf32, #tpu.memory_space<hbm>> -> memref<64x128xf32, #tpu.memory_space<hbm>>
      tpu.wait_dma2 semaphore(%arg8 : memref<!tpu.dma_semaphore, #tpu.memory_space<semaphore_mem>>) src(%dma_wait3A_682 : memref<64x128xf32, #tpu.memory_space<hbm>>) dst(%dma_wait3A_680 : memref<64x128xf32, #tpu.memory_space<vmem>>)
      %broadcast_in_dim3A_683 = vector.broadcast %sub3A_198 : i32 to vector<16xi32>
      %iota3A_684 = tpu.iota {dimensions = array<i32: 0>} : vector<16xi32>
      %add3A_685 = arith.constant 0 : i32
      %add3A_686 = vector.broadcast %add3A_685 : i32 to vector<16xi32>
      %add3A_687 = arith.addi %iota3A_684, %add3A_686 : vector<16xi32>
      %gather3A_688 = arith.constant 0 : i32
      %gather3A_689 = arith.constant 0 : i32
      %gather3A_690 = arith.constant 0 : i32
      %gather3A_691 = tpu.memref_slice %arg6[%gather3A_688, %gather3A_689, %gather3A_690] : memref<6x64x128xf32, #tpu.memory_space<vmem>> -> memref<1x64x128xf32, #tpu.memory_space<vmem>>
      %gather3A_692 = tpu.memref_squeeze %gather3A_691 : memref<1x64x128xf32, #tpu.memory_space<vmem>> -> memref<64x128xf32, #tpu.memory_space<vmem>>
      %gather3A_693 = tpu.vector_load_idx %gather3A_692[%add3A_687, %broadcast_in_dim3A_683] : memref<64x128xf32, #tpu.memory_space<vmem>>[vector<16xi32>, vector<16xi32>], vector<16xf32>,
      %max3A_694 = arith.maximumf %max3A_636, %gather3A_693 : vector<16xf32>
      %iota3A_695 = tpu.iota {dimensions = array<i32: 0>} : vector<16xi32>
      %add3A_696 = arith.constant 16 : i32
      %add3A_697 = vector.broadcast %add3A_696 : i32 to vector<16xi32>
      %add3A_698 = arith.addi %iota3A_695, %add3A_697 : vector<16xi32>
      %gather3A_699 = arith.constant 0 : i32
      %gather3A_700 = arith.constant 0 : i32
      %gather3A_701 = arith.constant 0 : i32
      %gather3A_702 = tpu.memref_slice %arg6[%gather3A_699, %gather3A_700, %gather3A_701] : memref<6x64x128xf32, #tpu.memory_space<vmem>> -> memref<1x64x128xf32, #tpu.memory_space<vmem>>
      %gather3A_703 = tpu.memref_squeeze %gather3A_702 : memref<1x64x128xf32, #tpu.memory_space<vmem>> -> memref<64x128xf32, #tpu.memory_space<vmem>>
      %gather3A_704 = tpu.vector_load_idx %gather3A_703[%add3A_698, %broadcast_in_dim3A_683] : memref<64x128xf32, #tpu.memory_space<vmem>>[vector<16xi32>, vector<16xi32>], vector<16xf32>,
      %max3A_705 = arith.maximumf %max3A_647, %gather3A_704 : vector<16xf32>
      %iota3A_706 = tpu.iota {dimensions = array<i32: 0>} : vector<16xi32>
      %add3A_707 = arith.constant 32 : i32
      %add3A_708 = vector.broadcast %add3A_707 : i32 to vector<16xi32>
      %add3A_709 = arith.addi %iota3A_706, %add3A_708 : vector<16xi32>
      %gather3A_710 = arith.constant 0 : i32
      %gather3A_711 = arith.constant 0 : i32
      %gather3A_712 = arith.constant 0 : i32
      %gather3A_713 = tpu.memref_slice %arg6[%gather3A_710, %gather3A_711, %gather3A_712] : memref<6x64x128xf32, #tpu.memory_space<vmem>> -> memref<1x64x128xf32, #tpu.memory_space<vmem>>
      %gather3A_714 = tpu.memref_squeeze %gather3A_713 : memref<1x64x128xf32, #tpu.memory_space<vmem>> -> memref<64x128xf32, #tpu.memory_space<vmem>>
      %gather3A_715 = tpu.vector_load_idx %gather3A_714[%add3A_709, %broadcast_in_dim3A_683] : memref<64x128xf32, #tpu.memory_space<vmem>>[vector<16xi32>, vector<16xi32>], vector<16xf32>,
      %max3A_716 = arith.maximumf %max3A_658, %gather3A_715 : vector<16xf32>
      %iota3A_717 = tpu.iota {dimensions = array<i32: 0>} : vector<16xi32>
      %add3A_718 = arith.constant 48 : i32
      %add3A_719 = vector.broadcast %add3A_718 : i32 to vector<16xi32>
      %add3A_720 = arith.addi %iota3A_717, %add3A_719 : vector<16xi32>
      %gather3A_721 = arith.constant 0 : i32
      %gather3A_722 = arith.constant 0 : i32
      %gather3A_723 = arith.constant 0 : i32
      %gather3A_724 = tpu.memref_slice %arg6[%gather3A_721, %gather3A_722, %gather3A_723] : memref<6x64x128xf32, #tpu.memory_space<vmem>> -> memref<1x64x128xf32, #tpu.memory_space<vmem>>
      %gather3A_725 = tpu.memref_squeeze %gather3A_724 : memref<1x64x128xf32, #tpu.memory_space<vmem>> -> memref<64x128xf32, #tpu.memory_space<vmem>>
      %gather3A_726 = tpu.vector_load_idx %gather3A_725[%add3A_720, %broadcast_in_dim3A_683] : memref<64x128xf32, #tpu.memory_space<vmem>>[vector<16xi32>, vector<16xi32>], vector<16xf32>,
      %max3A_727 = arith.maximumf %max3A_669, %gather3A_726 : vector<16xf32>
      %dma_wait3A_728 = arith.constant 1 : i32
      %dma_wait3A_729 = arith.constant 0 : i32
      %dma_wait3A_730 = arith.constant 0 : i32
      %dma_wait3A_731 = tpu.memref_slice %arg6[%dma_wait3A_728, %dma_wait3A_729, %dma_wait3A_730] : memref<6x64x128xf32, #tpu.memory_space<vmem>> -> memref<1x64x128xf32, #tpu.memory_space<vmem>>
      %dma_wait3A_732 = tpu.memref_squeeze %dma_wait3A_731 : memref<1x64x128xf32, #tpu.memory_space<vmem>> -> memref<64x128xf32, #tpu.memory_space<vmem>>
      %dma_wait3A_733 = arith.constant 0 : i32
      %dma_wait3A_734 = tpu.memref_slice %arg3[%dma_wait3A_733, %mul3A_226] : memref<64x1000000xf32, #tpu.memory_space<hbm>> -> memref<64x128xf32, #tpu.memory_space<hbm>>
      %dma_wait3A_735 = arith.constant 0 : i32
      %dma_wait3A_736 = arith.constant 0 : i32
      %dma_wait3A_737 = tpu.memref_slice %arg6[%dma_wait3A_728, %dma_wait3A_735, %dma_wait3A_736] : memref<6x64x128xf32, #tpu.memory_space<vmem>> -> memref<1x64x128xf32, #tpu.memory_space<vmem>>
      %dma_wait3A_738 = tpu.memref_squeeze %dma_wait3A_737 : memref<1x64x128xf32, #tpu.memory_space<vmem>> -> memref<64x128xf32, #tpu.memory_space<vmem>>
      %dma_wait3A_739 = arith.constant 0 : i32
      %dma_wait3A_740 = tpu.memref_slice %arg3[%dma_wait3A_739, %mul3A_226] : memref<64x1000000xf32, #tpu.memory_space<hbm>> -> memref<64x128xf32, #tpu.memory_space<hbm>>
      tpu.wait_dma2 semaphore(%arg9 : memref<!tpu.dma_semaphore, #tpu.memory_space<semaphore_mem>>) src(%dma_wait3A_740 : memref<64x128xf32, #tpu.memory_space<hbm>>) dst(%dma_wait3A_738 : memref<64x128xf32, #tpu.memory_space<vmem>>)
      %broadcast_in_dim3A_741 = vector.broadcast %sub3A_227 : i32 to vector<16xi32>
      %iota3A_742 = tpu.iota {dimensions = array<i32: 0>} : vector<16xi32>
      %add3A_743 = arith.constant 0 : i32
      %add3A_744 = vector.broadcast %add3A_743 : i32 to vector<16xi32>
      %add3A_745 = arith.addi %iota3A_742, %add3A_744 : vector<16xi32>
      %gather3A_746 = arith.constant 1 : i32
      %gather3A_747 = arith.constant 0 : i32
      %gather3A_748 = arith.constant 0 : i32
      %gather3A_749 = tpu.memref_slice %arg6[%gather3A_746, %gather3A_747, %gather3A_748] : memref<6x64x128xf32, #tpu.memory_space<vmem>> -> memref<1x64x128xf32, #tpu.memory_space<vmem>>
      %gather3A_750 = tpu.memref_squeeze %gather3A_749 : memref<1x64x128xf32, #tpu.memory_space<vmem>> -> memref<64x128xf32, #tpu.memory_space<vmem>>
      %gather3A_751 = tpu.vector_load_idx %gather3A_750[%add3A_745, %broadcast_in_dim3A_741] : memref<64x128xf32, #tpu.memory_space<vmem>>[vector<16xi32>, vector<16xi32>], vector<16xf32>,
      %max3A_752 = arith.maximumf %max3A_694, %gather3A_751 : vector<16xf32>
      %iota3A_753 = tpu.iota {dimensions = array<i32: 0>} : vector<16xi32>
      %add3A_754 = arith.constant 16 : i32
      %add3A_755 = vector.broadcast %add3A_754 : i32 to vector<16xi32>
      %add3A_756 = arith.addi %iota3A_753, %add3A_755 : vector<16xi32>
      %gather3A_757 = arith.constant 1 : i32
      %gather3A_758 = arith.constant 0 : i32
      %gather3A_759 = arith.constant 0 : i32
      %gather3A_760 = tpu.memref_slice %arg6[%gather3A_757, %gather3A_758, %gather3A_759] : memref<6x64x128xf32, #tpu.memory_space<vmem>> -> memref<1x64x128xf32, #tpu.memory_space<vmem>>
      %gather3A_761 = tpu.memref_squeeze %gather3A_760 : memref<1x64x128xf32, #tpu.memory_space<vmem>> -> memref<64x128xf32, #tpu.memory_space<vmem>>
      %gather3A_762 = tpu.vector_load_idx %gather3A_761[%add3A_756, %broadcast_in_dim3A_741] : memref<64x128xf32, #tpu.memory_space<vmem>>[vector<16xi32>, vector<16xi32>], vector<16xf32>,
      %max3A_763 = arith.maximumf %max3A_705, %gather3A_762 : vector<16xf32>
      %iota3A_764 = tpu.iota {dimensions = array<i32: 0>} : vector<16xi32>
      %add3A_765 = arith.constant 32 : i32
      %add3A_766 = vector.broadcast %add3A_765 : i32 to vector<16xi32>
      %add3A_767 = arith.addi %iota3A_764, %add3A_766 : vector<16xi32>
      %gather3A_768 = arith.constant 1 : i32
      %gather3A_769 = arith.constant 0 : i32
      %gather3A_770 = arith.constant 0 : i32
      %gather3A_771 = tpu.memref_slice %arg6[%gather3A_768, %gather3A_769, %gather3A_770] : memref<6x64x128xf32, #tpu.memory_space<vmem>> -> memref<1x64x128xf32, #tpu.memory_space<vmem>>
      %gather3A_772 = tpu.memref_squeeze %gather3A_771 : memref<1x64x128xf32, #tpu.memory_space<vmem>> -> memref<64x128xf32, #tpu.memory_space<vmem>>
      %gather3A_773 = tpu.vector_load_idx %gather3A_772[%add3A_767, %broadcast_in_dim3A_741] : memref<64x128xf32, #tpu.memory_space<vmem>>[vector<16xi32>, vector<16xi32>], vector<16xf32>,
      %max3A_774 = arith.maximumf %max3A_716, %gather3A_773 : vector<16xf32>
      %iota3A_775 = tpu.iota {dimensions = array<i32: 0>} : vector<16xi32>
      %add3A_776 = arith.constant 48 : i32
      %add3A_777 = vector.broadcast %add3A_776 : i32 to vector<16xi32>
      %add3A_778 = arith.addi %iota3A_775, %add3A_777 : vector<16xi32>
      %gather3A_779 = arith.constant 1 : i32
      %gather3A_780 = arith.constant 0 : i32
      %gather3A_781 = arith.constant 0 : i32
      %gather3A_782 = tpu.memref_slice %arg6[%gather3A_779, %gather3A_780, %gather3A_781] : memref<6x64x128xf32, #tpu.memory_space<vmem>> -> memref<1x64x128xf32, #tpu.memory_space<vmem>>
      %gather3A_783 = tpu.memref_squeeze %gather3A_782 : memref<1x64x128xf32, #tpu.memory_space<vmem>> -> memref<64x128xf32, #tpu.memory_space<vmem>>
      %gather3A_784 = tpu.vector_load_idx %gather3A_783[%add3A_778, %broadcast_in_dim3A_741] : memref<64x128xf32, #tpu.memory_space<vmem>>[vector<16xi32>, vector<16xi32>], vector<16xf32>,
      %max3A_785 = arith.maximumf %max3A_727, %gather3A_784 : vector<16xf32>
      %swap3A = arith.constant 0 : index
      %swap3A_786 = tpu.vector_load %arg7[%swap3A] {strides = array<i32>} : memref<128xf32, #tpu.memory_space<vmem>>, vector<16xf32>,
      tpu.vector_store %arg7[%swap3A], %max3A_752 {strides = array<i32>} : memref<128xf32, #tpu.memory_space<vmem>>, vector<16xf32>,
      %swap3A_787 = arith.constant 16 : index
      %swap3A_788 = tpu.vector_load %arg7[%swap3A_787] {strides = array<i32>} : memref<128xf32, #tpu.memory_space<vmem>>, vector<16xf32>,
      tpu.vector_store %arg7[%swap3A_787], %max3A_763 {strides = array<i32>} : memref<128xf32, #tpu.memory_space<vmem>>, vector<16xf32>,
      %swap3A_789 = arith.constant 32 : index
      %swap3A_790 = tpu.vector_load %arg7[%swap3A_789] {strides = array<i32>} : memref<128xf32, #tpu.memory_space<vmem>>, vector<16xf32>,
      tpu.vector_store %arg7[%swap3A_789], %max3A_774 {strides = array<i32>} : memref<128xf32, #tpu.memory_space<vmem>>, vector<16xf32>,
      %swap3A_791 = arith.constant 48 : index
      %swap3A_792 = tpu.vector_load %arg7[%swap3A_791] {strides = array<i32>} : memref<128xf32, #tpu.memory_space<vmem>>, vector<16xf32>,
      tpu.vector_store %arg7[%swap3A_791], %max3A_785 {strides = array<i32>} : memref<128xf32, #tpu.memory_space<vmem>>, vector<16xf32>,
      %mul3A_793 = arith.constant 128 : i32
      %mul3A_794 = arith.muli %add3A, %mul3A_793 : i32
      "tpu.region"() ({
        %run_scoped3A = tpu.sem_alloc : memref<!tpu.dma_semaphore, #tpu.memory_space<semaphore_mem>>
        %dma_start3A_795 = tpu.memref_slice %arg4[%mul3A_794] : memref<3200xf32, #tpu.memory_space<hbm>> -> memref<128xf32, #tpu.memory_space<hbm>>
        %dma_start3A_796 = tpu.memref_slice %arg4[%mul3A_794] : memref<3200xf32, #tpu.memory_space<hbm>> -> memref<128xf32, #tpu.memory_space<hbm>>
        tpu.enqueue_dma source(%arg7 : memref<128xf32, #tpu.memory_space<vmem>>) target(%dma_start3A_796 : memref<128xf32, #tpu.memory_space<hbm>>) target_semaphore(%run_scoped3A : memref<!tpu.dma_semaphore, #tpu.memory_space<semaphore_mem>>)
        %dma_wait3A_797 = tpu.memref_slice %arg4[%mul3A_794] : memref<3200xf32, #tpu.memory_space<hbm>> -> memref<128xf32, #tpu.memory_space<hbm>>
        %dma_wait3A_798 = tpu.memref_slice %arg4[%mul3A_794] : memref<3200xf32, #tpu.memory_space<hbm>> -> memref<128xf32, #tpu.memory_space<hbm>>
        tpu.wait_dma2 semaphore(%run_scoped3A : memref<!tpu.dma_semaphore, #tpu.memory_space<semaphore_mem>>) src(%arg7 : memref<128xf32, #tpu.memory_space<vmem>>) dst(%dma_wait3A_798 : memref<128xf32, #tpu.memory_space<hbm>>)
        tpu.yield
      }) : () -> ()
    } else {
    }
    return
  }
}

#map = affine_map<(d0, d1) -> (0)>
#map1 = affine_map<(d0, d1) -> (0, 0)>
module attributes {stable_mosaic.version = 14 : i64} {
  func.func @_reduce_body(%arg0: i32, %arg1: i32, %arg2: memref<3200xf32, #tpu.memory_space<hbm>>, %arg3: memref<2x64xf32, #tpu.memory_space<hbm>>, %arg4: memref<2xf32, #tpu.memory_space<hbm>>, %arg5: memref<1x2xf32, #tpu.memory_space<hbm>>, %arg6: memref<3200xf32, #tpu.memory_space<vmem>>, %arg7: memref<2x64xf32, #tpu.memory_space<vmem>>, %arg8: memref<16xf32, #tpu.memory_space<vmem>>, %arg9: memref<16xf32, #tpu.memory_space<vmem>>) attributes {dimension_semantics = [#tpu.dimension_semantics<core_parallel>, #tpu.dimension_semantics<subcore_parallel>], iteration_bounds = array<i64: 1, 16>, scalar_prefetch = 0 : i64, scratch_operands = 4 : i64, tpu.core_type = #tpu.core_type<sc_vector_subcore>, window_params = [{transform_indices = #map}, {transform_indices = #map1}, {transform_indices = #map}, {transform_indices = #map1}]} {
    %eq3A = arith.constant 0 : i32
    %eq3A_0 = arith.cmpi eq, %arg0, %eq3A : i32
    %eq3A_1 = arith.constant 0 : i32
    %eq3A_2 = arith.cmpi eq, %arg1, %eq3A_1 : i32
    %and3A = arith.andi %eq3A_0, %eq3A_2 : i1
    %convert_element_type3A = arith.extui %and3A : i1 to i32
    %cond3A = arith.constant 0 : i32
    %cond3A_3 = arith.cmpi ne, %convert_element_type3A, %cond3A : i32
    scf.if %cond3A_3 {
      "tpu.region"() ({
        %run_scoped3A_454 = tpu.sem_alloc : memref<!tpu.dma_semaphore, #tpu.memory_space<semaphore_mem>>
        tpu.enqueue_dma source(%arg2 : memref<3200xf32, #tpu.memory_space<hbm>>) target(%arg6 : memref<3200xf32, #tpu.memory_space<vmem>>) target_semaphore(%run_scoped3A_454 : memref<!tpu.dma_semaphore, #tpu.memory_space<semaphore_mem>>)
        tpu.wait_dma2 semaphore(%run_scoped3A_454 : memref<!tpu.dma_semaphore, #tpu.memory_space<semaphore_mem>>) src(%arg2 : memref<3200xf32, #tpu.memory_space<hbm>>) dst(%arg6 : memref<3200xf32, #tpu.memory_space<vmem>>)
        tpu.yield
      }) : () -> ()
      "tpu.region"() ({
        %run_scoped3A_454 = tpu.sem_alloc : memref<!tpu.dma_semaphore, #tpu.memory_space<semaphore_mem>>
        tpu.enqueue_dma source(%arg3 : memref<2x64xf32, #tpu.memory_space<hbm>>) target(%arg7 : memref<2x64xf32, #tpu.memory_space<vmem>>) target_semaphore(%run_scoped3A_454 : memref<!tpu.dma_semaphore, #tpu.memory_space<semaphore_mem>>)
        tpu.wait_dma2 semaphore(%run_scoped3A_454 : memref<!tpu.dma_semaphore, #tpu.memory_space<semaphore_mem>>) src(%arg3 : memref<2x64xf32, #tpu.memory_space<hbm>>) dst(%arg7 : memref<2x64xf32, #tpu.memory_space<vmem>>)
        tpu.yield
      }) : () -> ()
      "tpu.region"() ({
        %run_scoped3A_454 = tpu.sem_alloc : memref<!tpu.dma_semaphore, #tpu.memory_space<semaphore_mem>>
        %dma_start3A = arith.constant 0 : i32
        %dma_start3A_455 = tpu.memref_slice %arg8[%dma_start3A] : memref<16xf32, #tpu.memory_space<vmem>> -> memref<2xf32, #tpu.memory_space<vmem>>
        %dma_start3A_456 = arith.constant 0 : i32
        %dma_start3A_457 = tpu.memref_slice %arg8[%dma_start3A_456] : memref<16xf32, #tpu.memory_space<vmem>> -> memref<2xf32, #tpu.memory_space<vmem>>
        tpu.enqueue_dma source(%arg4 : memref<2xf32, #tpu.memory_space<hbm>>) target(%dma_start3A_457 : memref<2xf32, #tpu.memory_space<vmem>>) target_semaphore(%run_scoped3A_454 : memref<!tpu.dma_semaphore, #tpu.memory_space<semaphore_mem>>)
        %dma_wait3A = arith.constant 0 : i32
        %dma_wait3A_458 = tpu.memref_slice %arg8[%dma_wait3A] : memref<16xf32, #tpu.memory_space<vmem>> -> memref<2xf32, #tpu.memory_space<vmem>>
        %dma_wait3A_459 = arith.constant 0 : i32
        %dma_wait3A_460 = tpu.memref_slice %arg8[%dma_wait3A_459] : memref<16xf32, #tpu.memory_space<vmem>> -> memref<2xf32, #tpu.memory_space<vmem>>
        tpu.wait_dma2 semaphore(%run_scoped3A_454 : memref<!tpu.dma_semaphore, #tpu.memory_space<semaphore_mem>>) src(%arg4 : memref<2xf32, #tpu.memory_space<hbm>>) dst(%dma_wait3A_460 : memref<2xf32, #tpu.memory_space<vmem>>)
        tpu.yield
      }) : () -> ()
      %get3A = arith.constant 0 : index
      %get3A_4 = tpu.vector_load %arg6[%get3A] {strides = array<i32>} : memref<3200xf32, #tpu.memory_space<vmem>>, vector<16xf32>,
      %get3A_5 = arith.constant 128 : index
      %get3A_6 = tpu.vector_load %arg6[%get3A_5] {strides = array<i32>} : memref<3200xf32, #tpu.memory_space<vmem>>, vector<16xf32>,
      %get3A_7 = arith.constant 256 : index
      %get3A_8 = tpu.vector_load %arg6[%get3A_7] {strides = array<i32>} : memref<3200xf32, #tpu.memory_space<vmem>>, vector<16xf32>,
      %get3A_9 = arith.constant 384 : index
      %get3A_10 = tpu.vector_load %arg6[%get3A_9] {strides = array<i32>} : memref<3200xf32, #tpu.memory_space<vmem>>, vector<16xf32>,
      %get3A_11 = arith.constant 512 : index
      %get3A_12 = tpu.vector_load %arg6[%get3A_11] {strides = array<i32>} : memref<3200xf32, #tpu.memory_space<vmem>>, vector<16xf32>,
      %get3A_13 = arith.constant 640 : index
      %get3A_14 = tpu.vector_load %arg6[%get3A_13] {strides = array<i32>} : memref<3200xf32, #tpu.memory_space<vmem>>, vector<16xf32>,
      %get3A_15 = arith.constant 768 : index
      %get3A_16 = tpu.vector_load %arg6[%get3A_15] {strides = array<i32>} : memref<3200xf32, #tpu.memory_space<vmem>>, vector<16xf32>,
      %get3A_17 = arith.constant 896 : index
      %get3A_18 = tpu.vector_load %arg6[%get3A_17] {strides = array<i32>} : memref<3200xf32, #tpu.memory_space<vmem>>, vector<16xf32>,
      %get3A_19 = arith.constant 1024 : index
      %get3A_20 = tpu.vector_load %arg6[%get3A_19] {strides = array<i32>} : memref<3200xf32, #tpu.memory_space<vmem>>, vector<16xf32>,
      %get3A_21 = arith.constant 1152 : index
      %get3A_22 = tpu.vector_load %arg6[%get3A_21] {strides = array<i32>} : memref<3200xf32, #tpu.memory_space<vmem>>, vector<16xf32>,
      %get3A_23 = arith.constant 1280 : index
      %get3A_24 = tpu.vector_load %arg6[%get3A_23] {strides = array<i32>} : memref<3200xf32, #tpu.memory_space<vmem>>, vector<16xf32>,
      %get3A_25 = arith.constant 1408 : index
      %get3A_26 = tpu.vector_load %arg6[%get3A_25] {strides = array<i32>} : memref<3200xf32, #tpu.memory_space<vmem>>, vector<16xf32>,
      %get3A_27 = arith.constant 1536 : index
      %get3A_28 = tpu.vector_load %arg6[%get3A_27] {strides = array<i32>} : memref<3200xf32, #tpu.memory_space<vmem>>, vector<16xf32>,
      %get3A_29 = arith.constant 1664 : index
      %get3A_30 = tpu.vector_load %arg6[%get3A_29] {strides = array<i32>} : memref<3200xf32, #tpu.memory_space<vmem>>, vector<16xf32>,
      %get3A_31 = arith.constant 1792 : index
      %get3A_32 = tpu.vector_load %arg6[%get3A_31] {strides = array<i32>} : memref<3200xf32, #tpu.memory_space<vmem>>, vector<16xf32>,
      %get3A_33 = arith.constant 1920 : index
      %get3A_34 = tpu.vector_load %arg6[%get3A_33] {strides = array<i32>} : memref<3200xf32, #tpu.memory_space<vmem>>, vector<16xf32>,
      %get3A_35 = arith.constant 2048 : index
      %get3A_36 = tpu.vector_load %arg6[%get3A_35] {strides = array<i32>} : memref<3200xf32, #tpu.memory_space<vmem>>, vector<16xf32>,
      %get3A_37 = arith.constant 2176 : index
      %get3A_38 = tpu.vector_load %arg6[%get3A_37] {strides = array<i32>} : memref<3200xf32, #tpu.memory_space<vmem>>, vector<16xf32>,
      %get3A_39 = arith.constant 2304 : index
      %get3A_40 = tpu.vector_load %arg6[%get3A_39] {strides = array<i32>} : memref<3200xf32, #tpu.memory_space<vmem>>, vector<16xf32>,
      %get3A_41 = arith.constant 2432 : index
      %get3A_42 = tpu.vector_load %arg6[%get3A_41] {strides = array<i32>} : memref<3200xf32, #tpu.memory_space<vmem>>, vector<16xf32>,
      %get3A_43 = arith.constant 2560 : index
      %get3A_44 = tpu.vector_load %arg6[%get3A_43] {strides = array<i32>} : memref<3200xf32, #tpu.memory_space<vmem>>, vector<16xf32>,
      %get3A_45 = arith.constant 2688 : index
      %get3A_46 = tpu.vector_load %arg6[%get3A_45] {strides = array<i32>} : memref<3200xf32, #tpu.memory_space<vmem>>, vector<16xf32>,
      %get3A_47 = arith.constant 2816 : index
      %get3A_48 = tpu.vector_load %arg6[%get3A_47] {strides = array<i32>} : memref<3200xf32, #tpu.memory_space<vmem>>, vector<16xf32>,
      %get3A_49 = arith.constant 2944 : index
      %get3A_50 = tpu.vector_load %arg6[%get3A_49] {strides = array<i32>} : memref<3200xf32, #tpu.memory_space<vmem>>, vector<16xf32>,
      %get3A_51 = arith.constant 3072 : index
      %get3A_52 = tpu.vector_load %arg6[%get3A_51] {strides = array<i32>} : memref<3200xf32, #tpu.memory_space<vmem>>, vector<16xf32>,
      %max3A = arith.maximumf %get3A_4, %get3A_6 : vector<16xf32>
      %max3A_53 = arith.maximumf %get3A_8, %get3A_10 : vector<16xf32>
      %max3A_54 = arith.maximumf %get3A_12, %get3A_14 : vector<16xf32>
      %max3A_55 = arith.maximumf %get3A_16, %get3A_18 : vector<16xf32>
      %max3A_56 = arith.maximumf %get3A_20, %get3A_22 : vector<16xf32>
      %max3A_57 = arith.maximumf %get3A_24, %get3A_26 : vector<16xf32>
      %max3A_58 = arith.maximumf %get3A_28, %get3A_30 : vector<16xf32>
      %max3A_59 = arith.maximumf %get3A_32, %get3A_34 : vector<16xf32>
      %max3A_60 = arith.maximumf %get3A_36, %get3A_38 : vector<16xf32>
      %max3A_61 = arith.maximumf %get3A_40, %get3A_42 : vector<16xf32>
      %max3A_62 = arith.maximumf %get3A_44, %get3A_46 : vector<16xf32>
      %max3A_63 = arith.maximumf %get3A_48, %get3A_50 : vector<16xf32>
      %max3A_64 = arith.maximumf %max3A, %max3A_53 : vector<16xf32>
      %max3A_65 = arith.maximumf %max3A_54, %max3A_55 : vector<16xf32>
      %max3A_66 = arith.maximumf %max3A_56, %max3A_57 : vector<16xf32>
      %max3A_67 = arith.maximumf %max3A_58, %max3A_59 : vector<16xf32>
      %max3A_68 = arith.maximumf %max3A_60, %max3A_61 : vector<16xf32>
      %max3A_69 = arith.maximumf %max3A_62, %max3A_63 : vector<16xf32>
      %max3A_70 = arith.maximumf %max3A_64, %max3A_65 : vector<16xf32>
      %max3A_71 = arith.maximumf %max3A_66, %max3A_67 : vector<16xf32>
      %max3A_72 = arith.maximumf %max3A_68, %max3A_69 : vector<16xf32>
      %max3A_73 = arith.maximumf %max3A_70, %max3A_71 : vector<16xf32>
      %max3A_74 = arith.maximumf %max3A_72, %get3A_52 : vector<16xf32>
      %max3A_75 = arith.maximumf %max3A_73, %max3A_74 : vector<16xf32>
      %get3A_76 = arith.constant 16 : index
      %get3A_77 = tpu.vector_load %arg6[%get3A_76] {strides = array<i32>} : memref<3200xf32, #tpu.memory_space<vmem>>, vector<16xf32>,
      %get3A_78 = arith.constant 144 : index
      %get3A_79 = tpu.vector_load %arg6[%get3A_78] {strides = array<i32>} : memref<3200xf32, #tpu.memory_space<vmem>>, vector<16xf32>,
      %get3A_80 = arith.constant 272 : index
      %get3A_81 = tpu.vector_load %arg6[%get3A_80] {strides = array<i32>} : memref<3200xf32, #tpu.memory_space<vmem>>, vector<16xf32>,
      %get3A_82 = arith.constant 400 : index
      %get3A_83 = tpu.vector_load %arg6[%get3A_82] {strides = array<i32>} : memref<3200xf32, #tpu.memory_space<vmem>>, vector<16xf32>,
      %get3A_84 = arith.constant 528 : index
      %get3A_85 = tpu.vector_load %arg6[%get3A_84] {strides = array<i32>} : memref<3200xf32, #tpu.memory_space<vmem>>, vector<16xf32>,
      %get3A_86 = arith.constant 656 : index
      %get3A_87 = tpu.vector_load %arg6[%get3A_86] {strides = array<i32>} : memref<3200xf32, #tpu.memory_space<vmem>>, vector<16xf32>,
      %get3A_88 = arith.constant 784 : index
      %get3A_89 = tpu.vector_load %arg6[%get3A_88] {strides = array<i32>} : memref<3200xf32, #tpu.memory_space<vmem>>, vector<16xf32>,
      %get3A_90 = arith.constant 912 : index
      %get3A_91 = tpu.vector_load %arg6[%get3A_90] {strides = array<i32>} : memref<3200xf32, #tpu.memory_space<vmem>>, vector<16xf32>,
      %get3A_92 = arith.constant 1040 : index
      %get3A_93 = tpu.vector_load %arg6[%get3A_92] {strides = array<i32>} : memref<3200xf32, #tpu.memory_space<vmem>>, vector<16xf32>,
      %get3A_94 = arith.constant 1168 : index
      %get3A_95 = tpu.vector_load %arg6[%get3A_94] {strides = array<i32>} : memref<3200xf32, #tpu.memory_space<vmem>>, vector<16xf32>,
      %get3A_96 = arith.constant 1296 : index
      %get3A_97 = tpu.vector_load %arg6[%get3A_96] {strides = array<i32>} : memref<3200xf32, #tpu.memory_space<vmem>>, vector<16xf32>,
      %get3A_98 = arith.constant 1424 : index
      %get3A_99 = tpu.vector_load %arg6[%get3A_98] {strides = array<i32>} : memref<3200xf32, #tpu.memory_space<vmem>>, vector<16xf32>,
      %get3A_100 = arith.constant 1552 : index
      %get3A_101 = tpu.vector_load %arg6[%get3A_100] {strides = array<i32>} : memref<3200xf32, #tpu.memory_space<vmem>>, vector<16xf32>,
      %get3A_102 = arith.constant 1680 : index
      %get3A_103 = tpu.vector_load %arg6[%get3A_102] {strides = array<i32>} : memref<3200xf32, #tpu.memory_space<vmem>>, vector<16xf32>,
      %get3A_104 = arith.constant 1808 : index
      %get3A_105 = tpu.vector_load %arg6[%get3A_104] {strides = array<i32>} : memref<3200xf32, #tpu.memory_space<vmem>>, vector<16xf32>,
      %get3A_106 = arith.constant 1936 : index
      %get3A_107 = tpu.vector_load %arg6[%get3A_106] {strides = array<i32>} : memref<3200xf32, #tpu.memory_space<vmem>>, vector<16xf32>,
      %get3A_108 = arith.constant 2064 : index
      %get3A_109 = tpu.vector_load %arg6[%get3A_108] {strides = array<i32>} : memref<3200xf32, #tpu.memory_space<vmem>>, vector<16xf32>,
      %get3A_110 = arith.constant 2192 : index
      %get3A_111 = tpu.vector_load %arg6[%get3A_110] {strides = array<i32>} : memref<3200xf32, #tpu.memory_space<vmem>>, vector<16xf32>,
      %get3A_112 = arith.constant 2320 : index
      %get3A_113 = tpu.vector_load %arg6[%get3A_112] {strides = array<i32>} : memref<3200xf32, #tpu.memory_space<vmem>>, vector<16xf32>,
      %get3A_114 = arith.constant 2448 : index
      %get3A_115 = tpu.vector_load %arg6[%get3A_114] {strides = array<i32>} : memref<3200xf32, #tpu.memory_space<vmem>>, vector<16xf32>,
      %get3A_116 = arith.constant 2576 : index
      %get3A_117 = tpu.vector_load %arg6[%get3A_116] {strides = array<i32>} : memref<3200xf32, #tpu.memory_space<vmem>>, vector<16xf32>,
      %get3A_118 = arith.constant 2704 : index
      %get3A_119 = tpu.vector_load %arg6[%get3A_118] {strides = array<i32>} : memref<3200xf32, #tpu.memory_space<vmem>>, vector<16xf32>,
      %get3A_120 = arith.constant 2832 : index
      %get3A_121 = tpu.vector_load %arg6[%get3A_120] {strides = array<i32>} : memref<3200xf32, #tpu.memory_space<vmem>>, vector<16xf32>,
      %get3A_122 = arith.constant 2960 : index
      %get3A_123 = tpu.vector_load %arg6[%get3A_122] {strides = array<i32>} : memref<3200xf32, #tpu.memory_space<vmem>>, vector<16xf32>,
      %get3A_124 = arith.constant 3088 : index
      %get3A_125 = tpu.vector_load %arg6[%get3A_124] {strides = array<i32>} : memref<3200xf32, #tpu.memory_space<vmem>>, vector<16xf32>,
      %max3A_126 = arith.maximumf %get3A_77, %get3A_79 : vector<16xf32>
      %max3A_127 = arith.maximumf %get3A_81, %get3A_83 : vector<16xf32>
      %max3A_128 = arith.maximumf %get3A_85, %get3A_87 : vector<16xf32>
      %max3A_129 = arith.maximumf %get3A_89, %get3A_91 : vector<16xf32>
      %max3A_130 = arith.maximumf %get3A_93, %get3A_95 : vector<16xf32>
      %max3A_131 = arith.maximumf %get3A_97, %get3A_99 : vector<16xf32>
      %max3A_132 = arith.maximumf %get3A_101, %get3A_103 : vector<16xf32>
      %max3A_133 = arith.maximumf %get3A_105, %get3A_107 : vector<16xf32>
      %max3A_134 = arith.maximumf %get3A_109, %get3A_111 : vector<16xf32>
      %max3A_135 = arith.maximumf %get3A_113, %get3A_115 : vector<16xf32>
      %max3A_136 = arith.maximumf %get3A_117, %get3A_119 : vector<16xf32>
      %max3A_137 = arith.maximumf %get3A_121, %get3A_123 : vector<16xf32>
      %max3A_138 = arith.maximumf %max3A_126, %max3A_127 : vector<16xf32>
      %max3A_139 = arith.maximumf %max3A_128, %max3A_129 : vector<16xf32>
      %max3A_140 = arith.maximumf %max3A_130, %max3A_131 : vector<16xf32>
      %max3A_141 = arith.maximumf %max3A_132, %max3A_133 : vector<16xf32>
      %max3A_142 = arith.maximumf %max3A_134, %max3A_135 : vector<16xf32>
      %max3A_143 = arith.maximumf %max3A_136, %max3A_137 : vector<16xf32>
      %max3A_144 = arith.maximumf %max3A_138, %max3A_139 : vector<16xf32>
      %max3A_145 = arith.maximumf %max3A_140, %max3A_141 : vector<16xf32>
      %max3A_146 = arith.maximumf %max3A_142, %max3A_143 : vector<16xf32>
      %max3A_147 = arith.maximumf %max3A_144, %max3A_145 : vector<16xf32>
      %max3A_148 = arith.maximumf %max3A_146, %get3A_125 : vector<16xf32>
      %max3A_149 = arith.maximumf %max3A_147, %max3A_148 : vector<16xf32>
      %get3A_150 = arith.constant 32 : index
      %get3A_151 = tpu.vector_load %arg6[%get3A_150] {strides = array<i32>} : memref<3200xf32, #tpu.memory_space<vmem>>, vector<16xf32>,
      %get3A_152 = arith.constant 160 : index
      %get3A_153 = tpu.vector_load %arg6[%get3A_152] {strides = array<i32>} : memref<3200xf32, #tpu.memory_space<vmem>>, vector<16xf32>,
      %get3A_154 = arith.constant 288 : index
      %get3A_155 = tpu.vector_load %arg6[%get3A_154] {strides = array<i32>} : memref<3200xf32, #tpu.memory_space<vmem>>, vector<16xf32>,
      %get3A_156 = arith.constant 416 : index
      %get3A_157 = tpu.vector_load %arg6[%get3A_156] {strides = array<i32>} : memref<3200xf32, #tpu.memory_space<vmem>>, vector<16xf32>,
      %get3A_158 = arith.constant 544 : index
      %get3A_159 = tpu.vector_load %arg6[%get3A_158] {strides = array<i32>} : memref<3200xf32, #tpu.memory_space<vmem>>, vector<16xf32>,
      %get3A_160 = arith.constant 672 : index
      %get3A_161 = tpu.vector_load %arg6[%get3A_160] {strides = array<i32>} : memref<3200xf32, #tpu.memory_space<vmem>>, vector<16xf32>,
      %get3A_162 = arith.constant 800 : index
      %get3A_163 = tpu.vector_load %arg6[%get3A_162] {strides = array<i32>} : memref<3200xf32, #tpu.memory_space<vmem>>, vector<16xf32>,
      %get3A_164 = arith.constant 928 : index
      %get3A_165 = tpu.vector_load %arg6[%get3A_164] {strides = array<i32>} : memref<3200xf32, #tpu.memory_space<vmem>>, vector<16xf32>,
      %get3A_166 = arith.constant 1056 : index
      %get3A_167 = tpu.vector_load %arg6[%get3A_166] {strides = array<i32>} : memref<3200xf32, #tpu.memory_space<vmem>>, vector<16xf32>,
      %get3A_168 = arith.constant 1184 : index
      %get3A_169 = tpu.vector_load %arg6[%get3A_168] {strides = array<i32>} : memref<3200xf32, #tpu.memory_space<vmem>>, vector<16xf32>,
      %get3A_170 = arith.constant 1312 : index
      %get3A_171 = tpu.vector_load %arg6[%get3A_170] {strides = array<i32>} : memref<3200xf32, #tpu.memory_space<vmem>>, vector<16xf32>,
      %get3A_172 = arith.constant 1440 : index
      %get3A_173 = tpu.vector_load %arg6[%get3A_172] {strides = array<i32>} : memref<3200xf32, #tpu.memory_space<vmem>>, vector<16xf32>,
      %get3A_174 = arith.constant 1568 : index
      %get3A_175 = tpu.vector_load %arg6[%get3A_174] {strides = array<i32>} : memref<3200xf32, #tpu.memory_space<vmem>>, vector<16xf32>,
      %get3A_176 = arith.constant 1696 : index
      %get3A_177 = tpu.vector_load %arg6[%get3A_176] {strides = array<i32>} : memref<3200xf32, #tpu.memory_space<vmem>>, vector<16xf32>,
      %get3A_178 = arith.constant 1824 : index
      %get3A_179 = tpu.vector_load %arg6[%get3A_178] {strides = array<i32>} : memref<3200xf32, #tpu.memory_space<vmem>>, vector<16xf32>,
      %get3A_180 = arith.constant 1952 : index
      %get3A_181 = tpu.vector_load %arg6[%get3A_180] {strides = array<i32>} : memref<3200xf32, #tpu.memory_space<vmem>>, vector<16xf32>,
      %get3A_182 = arith.constant 2080 : index
      %get3A_183 = tpu.vector_load %arg6[%get3A_182] {strides = array<i32>} : memref<3200xf32, #tpu.memory_space<vmem>>, vector<16xf32>,
      %get3A_184 = arith.constant 2208 : index
      %get3A_185 = tpu.vector_load %arg6[%get3A_184] {strides = array<i32>} : memref<3200xf32, #tpu.memory_space<vmem>>, vector<16xf32>,
      %get3A_186 = arith.constant 2336 : index
      %get3A_187 = tpu.vector_load %arg6[%get3A_186] {strides = array<i32>} : memref<3200xf32, #tpu.memory_space<vmem>>, vector<16xf32>,
      %get3A_188 = arith.constant 2464 : index
      %get3A_189 = tpu.vector_load %arg6[%get3A_188] {strides = array<i32>} : memref<3200xf32, #tpu.memory_space<vmem>>, vector<16xf32>,
      %get3A_190 = arith.constant 2592 : index
      %get3A_191 = tpu.vector_load %arg6[%get3A_190] {strides = array<i32>} : memref<3200xf32, #tpu.memory_space<vmem>>, vector<16xf32>,
      %get3A_192 = arith.constant 2720 : index
      %get3A_193 = tpu.vector_load %arg6[%get3A_192] {strides = array<i32>} : memref<3200xf32, #tpu.memory_space<vmem>>, vector<16xf32>,
      %get3A_194 = arith.constant 2848 : index
      %get3A_195 = tpu.vector_load %arg6[%get3A_194] {strides = array<i32>} : memref<3200xf32, #tpu.memory_space<vmem>>, vector<16xf32>,
      %get3A_196 = arith.constant 2976 : index
      %get3A_197 = tpu.vector_load %arg6[%get3A_196] {strides = array<i32>} : memref<3200xf32, #tpu.memory_space<vmem>>, vector<16xf32>,
      %get3A_198 = arith.constant 3104 : index
      %get3A_199 = tpu.vector_load %arg6[%get3A_198] {strides = array<i32>} : memref<3200xf32, #tpu.memory_space<vmem>>, vector<16xf32>,
      %max3A_200 = arith.maximumf %get3A_151, %get3A_153 : vector<16xf32>
      %max3A_201 = arith.maximumf %get3A_155, %get3A_157 : vector<16xf32>
      %max3A_202 = arith.maximumf %get3A_159, %get3A_161 : vector<16xf32>
      %max3A_203 = arith.maximumf %get3A_163, %get3A_165 : vector<16xf32>
      %max3A_204 = arith.maximumf %get3A_167, %get3A_169 : vector<16xf32>
      %max3A_205 = arith.maximumf %get3A_171, %get3A_173 : vector<16xf32>
      %max3A_206 = arith.maximumf %get3A_175, %get3A_177 : vector<16xf32>
      %max3A_207 = arith.maximumf %get3A_179, %get3A_181 : vector<16xf32>
      %max3A_208 = arith.maximumf %get3A_183, %get3A_185 : vector<16xf32>
      %max3A_209 = arith.maximumf %get3A_187, %get3A_189 : vector<16xf32>
      %max3A_210 = arith.maximumf %get3A_191, %get3A_193 : vector<16xf32>
      %max3A_211 = arith.maximumf %get3A_195, %get3A_197 : vector<16xf32>
      %max3A_212 = arith.maximumf %max3A_200, %max3A_201 : vector<16xf32>
      %max3A_213 = arith.maximumf %max3A_202, %max3A_203 : vector<16xf32>
      %max3A_214 = arith.maximumf %max3A_204, %max3A_205 : vector<16xf32>
      %max3A_215 = arith.maximumf %max3A_206, %max3A_207 : vector<16xf32>
      %max3A_216 = arith.maximumf %max3A_208, %max3A_209 : vector<16xf32>
      %max3A_217 = arith.maximumf %max3A_210, %max3A_211 : vector<16xf32>
      %max3A_218 = arith.maximumf %max3A_212, %max3A_213 : vector<16xf32>
      %max3A_219 = arith.maximumf %max3A_214, %max3A_215 : vector<16xf32>
      %max3A_220 = arith.maximumf %max3A_216, %max3A_217 : vector<16xf32>
      %max3A_221 = arith.maximumf %max3A_218, %max3A_219 : vector<16xf32>
      %max3A_222 = arith.maximumf %max3A_220, %get3A_199 : vector<16xf32>
      %max3A_223 = arith.maximumf %max3A_221, %max3A_222 : vector<16xf32>
      %get3A_224 = arith.constant 48 : index
      %get3A_225 = tpu.vector_load %arg6[%get3A_224] {strides = array<i32>} : memref<3200xf32, #tpu.memory_space<vmem>>, vector<16xf32>,
      %get3A_226 = arith.constant 176 : index
      %get3A_227 = tpu.vector_load %arg6[%get3A_226] {strides = array<i32>} : memref<3200xf32, #tpu.memory_space<vmem>>, vector<16xf32>,
      %get3A_228 = arith.constant 304 : index
      %get3A_229 = tpu.vector_load %arg6[%get3A_228] {strides = array<i32>} : memref<3200xf32, #tpu.memory_space<vmem>>, vector<16xf32>,
      %get3A_230 = arith.constant 432 : index
      %get3A_231 = tpu.vector_load %arg6[%get3A_230] {strides = array<i32>} : memref<3200xf32, #tpu.memory_space<vmem>>, vector<16xf32>,
      %get3A_232 = arith.constant 560 : index
      %get3A_233 = tpu.vector_load %arg6[%get3A_232] {strides = array<i32>} : memref<3200xf32, #tpu.memory_space<vmem>>, vector<16xf32>,
      %get3A_234 = arith.constant 688 : index
      %get3A_235 = tpu.vector_load %arg6[%get3A_234] {strides = array<i32>} : memref<3200xf32, #tpu.memory_space<vmem>>, vector<16xf32>,
      %get3A_236 = arith.constant 816 : index
      %get3A_237 = tpu.vector_load %arg6[%get3A_236] {strides = array<i32>} : memref<3200xf32, #tpu.memory_space<vmem>>, vector<16xf32>,
      %get3A_238 = arith.constant 944 : index
      %get3A_239 = tpu.vector_load %arg6[%get3A_238] {strides = array<i32>} : memref<3200xf32, #tpu.memory_space<vmem>>, vector<16xf32>,
      %get3A_240 = arith.constant 1072 : index
      %get3A_241 = tpu.vector_load %arg6[%get3A_240] {strides = array<i32>} : memref<3200xf32, #tpu.memory_space<vmem>>, vector<16xf32>,
      %get3A_242 = arith.constant 1200 : index
      %get3A_243 = tpu.vector_load %arg6[%get3A_242] {strides = array<i32>} : memref<3200xf32, #tpu.memory_space<vmem>>, vector<16xf32>,
      %get3A_244 = arith.constant 1328 : index
      %get3A_245 = tpu.vector_load %arg6[%get3A_244] {strides = array<i32>} : memref<3200xf32, #tpu.memory_space<vmem>>, vector<16xf32>,
      %get3A_246 = arith.constant 1456 : index
      %get3A_247 = tpu.vector_load %arg6[%get3A_246] {strides = array<i32>} : memref<3200xf32, #tpu.memory_space<vmem>>, vector<16xf32>,
      %get3A_248 = arith.constant 1584 : index
      %get3A_249 = tpu.vector_load %arg6[%get3A_248] {strides = array<i32>} : memref<3200xf32, #tpu.memory_space<vmem>>, vector<16xf32>,
      %get3A_250 = arith.constant 1712 : index
      %get3A_251 = tpu.vector_load %arg6[%get3A_250] {strides = array<i32>} : memref<3200xf32, #tpu.memory_space<vmem>>, vector<16xf32>,
      %get3A_252 = arith.constant 1840 : index
      %get3A_253 = tpu.vector_load %arg6[%get3A_252] {strides = array<i32>} : memref<3200xf32, #tpu.memory_space<vmem>>, vector<16xf32>,
      %get3A_254 = arith.constant 1968 : index
      %get3A_255 = tpu.vector_load %arg6[%get3A_254] {strides = array<i32>} : memref<3200xf32, #tpu.memory_space<vmem>>, vector<16xf32>,
      %get3A_256 = arith.constant 2096 : index
      %get3A_257 = tpu.vector_load %arg6[%get3A_256] {strides = array<i32>} : memref<3200xf32, #tpu.memory_space<vmem>>, vector<16xf32>,
      %get3A_258 = arith.constant 2224 : index
      %get3A_259 = tpu.vector_load %arg6[%get3A_258] {strides = array<i32>} : memref<3200xf32, #tpu.memory_space<vmem>>, vector<16xf32>,
      %get3A_260 = arith.constant 2352 : index
      %get3A_261 = tpu.vector_load %arg6[%get3A_260] {strides = array<i32>} : memref<3200xf32, #tpu.memory_space<vmem>>, vector<16xf32>,
      %get3A_262 = arith.constant 2480 : index
      %get3A_263 = tpu.vector_load %arg6[%get3A_262] {strides = array<i32>} : memref<3200xf32, #tpu.memory_space<vmem>>, vector<16xf32>,
      %get3A_264 = arith.constant 2608 : index
      %get3A_265 = tpu.vector_load %arg6[%get3A_264] {strides = array<i32>} : memref<3200xf32, #tpu.memory_space<vmem>>, vector<16xf32>,
      %get3A_266 = arith.constant 2736 : index
      %get3A_267 = tpu.vector_load %arg6[%get3A_266] {strides = array<i32>} : memref<3200xf32, #tpu.memory_space<vmem>>, vector<16xf32>,
      %get3A_268 = arith.constant 2864 : index
      %get3A_269 = tpu.vector_load %arg6[%get3A_268] {strides = array<i32>} : memref<3200xf32, #tpu.memory_space<vmem>>, vector<16xf32>,
      %get3A_270 = arith.constant 2992 : index
      %get3A_271 = tpu.vector_load %arg6[%get3A_270] {strides = array<i32>} : memref<3200xf32, #tpu.memory_space<vmem>>, vector<16xf32>,
      %get3A_272 = arith.constant 3120 : index
      %get3A_273 = tpu.vector_load %arg6[%get3A_272] {strides = array<i32>} : memref<3200xf32, #tpu.memory_space<vmem>>, vector<16xf32>,
      %max3A_274 = arith.maximumf %get3A_225, %get3A_227 : vector<16xf32>
      %max3A_275 = arith.maximumf %get3A_229, %get3A_231 : vector<16xf32>
      %max3A_276 = arith.maximumf %get3A_233, %get3A_235 : vector<16xf32>
      %max3A_277 = arith.maximumf %get3A_237, %get3A_239 : vector<16xf32>
      %max3A_278 = arith.maximumf %get3A_241, %get3A_243 : vector<16xf32>
      %max3A_279 = arith.maximumf %get3A_245, %get3A_247 : vector<16xf32>
      %max3A_280 = arith.maximumf %get3A_249, %get3A_251 : vector<16xf32>
      %max3A_281 = arith.maximumf %get3A_253, %get3A_255 : vector<16xf32>
      %max3A_282 = arith.maximumf %get3A_257, %get3A_259 : vector<16xf32>
      %max3A_283 = arith.maximumf %get3A_261, %get3A_263 : vector<16xf32>
      %max3A_284 = arith.maximumf %get3A_265, %get3A_267 : vector<16xf32>
      %max3A_285 = arith.maximumf %get3A_269, %get3A_271 : vector<16xf32>
      %max3A_286 = arith.maximumf %max3A_274, %max3A_275 : vector<16xf32>
      %max3A_287 = arith.maximumf %max3A_276, %max3A_277 : vector<16xf32>
      %max3A_288 = arith.maximumf %max3A_278, %max3A_279 : vector<16xf32>
      %max3A_289 = arith.maximumf %max3A_280, %max3A_281 : vector<16xf32>
      %max3A_290 = arith.maximumf %max3A_282, %max3A_283 : vector<16xf32>
      %max3A_291 = arith.maximumf %max3A_284, %max3A_285 : vector<16xf32>
      %max3A_292 = arith.maximumf %max3A_286, %max3A_287 : vector<16xf32>
      %max3A_293 = arith.maximumf %max3A_288, %max3A_289 : vector<16xf32>
      %max3A_294 = arith.maximumf %max3A_290, %max3A_291 : vector<16xf32>
      %max3A_295 = arith.maximumf %max3A_292, %max3A_293 : vector<16xf32>
      %max3A_296 = arith.maximumf %max3A_294, %get3A_273 : vector<16xf32>
      %max3A_297 = arith.maximumf %max3A_295, %max3A_296 : vector<16xf32>
      %iota3A = tpu.iota {dimensions = array<i32: 0>} : vector<16xi32>
      %broadcast_in_dim3A = arith.constant 0.000000e+00 : f32
      %broadcast_in_dim3A_298 = vector.broadcast %broadcast_in_dim3A : f32 to vector<16xf32>
      %broadcast_in_dim3A_299 = arith.constant 0.000000e+00 : f32
      %broadcast_in_dim3A_300 = vector.broadcast %broadcast_in_dim3A_299 : f32 to vector<16xf32>
      %get3A_301 = arith.constant 0 : i32
      %get3A_302 = arith.index_cast %get3A_301 : i32 to index
      %get3A_303 = arith.constant 0 : index
      %get3A_304 = tpu.vector_load %arg7[%get3A_302, %get3A_303] {strides = array<i32>} : memref<2x64xf32, #tpu.memory_space<vmem>>, vector<16xf32>,
      %mul3A = arith.mulf %max3A_75, %get3A_304 : vector<16xf32>
      %add3A = arith.addf %broadcast_in_dim3A_300, %mul3A : vector<16xf32>
      %get3A_305 = arith.constant 0 : i32
      %get3A_306 = arith.index_cast %get3A_305 : i32 to index
      %get3A_307 = arith.constant 16 : index
      %get3A_308 = tpu.vector_load %arg7[%get3A_306, %get3A_307] {strides = array<i32>} : memref<2x64xf32, #tpu.memory_space<vmem>>, vector<16xf32>,
      %mul3A_309 = arith.mulf %max3A_149, %get3A_308 : vector<16xf32>
      %add3A_310 = arith.addf %add3A, %mul3A_309 : vector<16xf32>
      %get3A_311 = arith.constant 0 : i32
      %get3A_312 = arith.index_cast %get3A_311 : i32 to index
      %get3A_313 = arith.constant 32 : index
      %get3A_314 = tpu.vector_load %arg7[%get3A_312, %get3A_313] {strides = array<i32>} : memref<2x64xf32, #tpu.memory_space<vmem>>, vector<16xf32>,
      %mul3A_315 = arith.mulf %max3A_223, %get3A_314 : vector<16xf32>
      %add3A_316 = arith.addf %add3A_310, %mul3A_315 : vector<16xf32>
      %get3A_317 = arith.constant 0 : i32
      %get3A_318 = arith.index_cast %get3A_317 : i32 to index
      %get3A_319 = arith.constant 48 : index
      %get3A_320 = tpu.vector_load %arg7[%get3A_318, %get3A_319] {strides = array<i32>} : memref<2x64xf32, #tpu.memory_space<vmem>>, vector<16xf32>,
      %mul3A_321 = arith.mulf %max3A_297, %get3A_320 : vector<16xf32>
      %add3A_322 = arith.addf %add3A_316, %mul3A_321 : vector<16xf32>
      %slice3A = vector.extract_strided_slice %add3A_322 {offsets = [0], sizes = [1], strides = [1]} : vector<16xf32> to vector<1xf32>
      %squeeze3A = vector.extract %slice3A[0] : f32 from vector<1xf32>
      %slice3A_323 = vector.extract_strided_slice %add3A_322 {offsets = [1], sizes = [1], strides = [1]} : vector<16xf32> to vector<1xf32>
      %squeeze3A_324 = vector.extract %slice3A_323[0] : f32 from vector<1xf32>
      %add3A_325 = arith.addf %squeeze3A, %squeeze3A_324 : f32
      %slice3A_326 = vector.extract_strided_slice %add3A_322 {offsets = [2], sizes = [1], strides = [1]} : vector<16xf32> to vector<1xf32>
      %squeeze3A_327 = vector.extract %slice3A_326[0] : f32 from vector<1xf32>
      %add3A_328 = arith.addf %add3A_325, %squeeze3A_327 : f32
      %slice3A_329 = vector.extract_strided_slice %add3A_322 {offsets = [3], sizes = [1], strides = [1]} : vector<16xf32> to vector<1xf32>
      %squeeze3A_330 = vector.extract %slice3A_329[0] : f32 from vector<1xf32>
      %add3A_331 = arith.addf %add3A_328, %squeeze3A_330 : f32
      %slice3A_332 = vector.extract_strided_slice %add3A_322 {offsets = [4], sizes = [1], strides = [1]} : vector<16xf32> to vector<1xf32>
      %squeeze3A_333 = vector.extract %slice3A_332[0] : f32 from vector<1xf32>
      %add3A_334 = arith.addf %add3A_331, %squeeze3A_333 : f32
      %slice3A_335 = vector.extract_strided_slice %add3A_322 {offsets = [5], sizes = [1], strides = [1]} : vector<16xf32> to vector<1xf32>
      %squeeze3A_336 = vector.extract %slice3A_335[0] : f32 from vector<1xf32>
      %add3A_337 = arith.addf %add3A_334, %squeeze3A_336 : f32
      %slice3A_338 = vector.extract_strided_slice %add3A_322 {offsets = [6], sizes = [1], strides = [1]} : vector<16xf32> to vector<1xf32>
      %squeeze3A_339 = vector.extract %slice3A_338[0] : f32 from vector<1xf32>
      %add3A_340 = arith.addf %add3A_337, %squeeze3A_339 : f32
      %slice3A_341 = vector.extract_strided_slice %add3A_322 {offsets = [7], sizes = [1], strides = [1]} : vector<16xf32> to vector<1xf32>
      %squeeze3A_342 = vector.extract %slice3A_341[0] : f32 from vector<1xf32>
      %add3A_343 = arith.addf %add3A_340, %squeeze3A_342 : f32
      %slice3A_344 = vector.extract_strided_slice %add3A_322 {offsets = [8], sizes = [1], strides = [1]} : vector<16xf32> to vector<1xf32>
      %squeeze3A_345 = vector.extract %slice3A_344[0] : f32 from vector<1xf32>
      %add3A_346 = arith.addf %add3A_343, %squeeze3A_345 : f32
      %slice3A_347 = vector.extract_strided_slice %add3A_322 {offsets = [9], sizes = [1], strides = [1]} : vector<16xf32> to vector<1xf32>
      %squeeze3A_348 = vector.extract %slice3A_347[0] : f32 from vector<1xf32>
      %add3A_349 = arith.addf %add3A_346, %squeeze3A_348 : f32
      %slice3A_350 = vector.extract_strided_slice %add3A_322 {offsets = [10], sizes = [1], strides = [1]} : vector<16xf32> to vector<1xf32>
      %squeeze3A_351 = vector.extract %slice3A_350[0] : f32 from vector<1xf32>
      %add3A_352 = arith.addf %add3A_349, %squeeze3A_351 : f32
      %slice3A_353 = vector.extract_strided_slice %add3A_322 {offsets = [11], sizes = [1], strides = [1]} : vector<16xf32> to vector<1xf32>
      %squeeze3A_354 = vector.extract %slice3A_353[0] : f32 from vector<1xf32>
      %add3A_355 = arith.addf %add3A_352, %squeeze3A_354 : f32
      %slice3A_356 = vector.extract_strided_slice %add3A_322 {offsets = [12], sizes = [1], strides = [1]} : vector<16xf32> to vector<1xf32>
      %squeeze3A_357 = vector.extract %slice3A_356[0] : f32 from vector<1xf32>
      %add3A_358 = arith.addf %add3A_355, %squeeze3A_357 : f32
      %slice3A_359 = vector.extract_strided_slice %add3A_322 {offsets = [13], sizes = [1], strides = [1]} : vector<16xf32> to vector<1xf32>
      %squeeze3A_360 = vector.extract %slice3A_359[0] : f32 from vector<1xf32>
      %add3A_361 = arith.addf %add3A_358, %squeeze3A_360 : f32
      %slice3A_362 = vector.extract_strided_slice %add3A_322 {offsets = [14], sizes = [1], strides = [1]} : vector<16xf32> to vector<1xf32>
      %squeeze3A_363 = vector.extract %slice3A_362[0] : f32 from vector<1xf32>
      %add3A_364 = arith.addf %add3A_361, %squeeze3A_363 : f32
      %slice3A_365 = vector.extract_strided_slice %add3A_322 {offsets = [15], sizes = [1], strides = [1]} : vector<16xf32> to vector<1xf32>
      %squeeze3A_366 = vector.extract %slice3A_365[0] : f32 from vector<1xf32>
      %add3A_367 = arith.addf %add3A_364, %squeeze3A_366 : f32
      %eq3A_368 = arith.constant 0 : i32
      %eq3A_369 = vector.broadcast %eq3A_368 : i32 to vector<16xi32>
      %eq3A_370 = arith.cmpi eq, %iota3A, %eq3A_369 : vector<16xi32>
      %broadcast_in_dim3A_371 = vector.broadcast %add3A_367 : f32 to vector<16xf32>
      %select_n3A = arith.select %eq3A_370, %broadcast_in_dim3A_371, %broadcast_in_dim3A_298 : vector<16xi1>, vector<16xf32>
      %broadcast_in_dim3A_372 = arith.constant 0.000000e+00 : f32
      %broadcast_in_dim3A_373 = vector.broadcast %broadcast_in_dim3A_372 : f32 to vector<16xf32>
      %get3A_374 = arith.constant 1 : i32
      %get3A_375 = arith.index_cast %get3A_374 : i32 to index
      %get3A_376 = arith.constant 0 : index
      %get3A_377 = tpu.vector_load %arg7[%get3A_375, %get3A_376] {strides = array<i32>} : memref<2x64xf32, #tpu.memory_space<vmem>>, vector<16xf32>,
      %mul3A_378 = arith.mulf %max3A_75, %get3A_377 : vector<16xf32>
      %add3A_379 = arith.addf %broadcast_in_dim3A_373, %mul3A_378 : vector<16xf32>
      %get3A_380 = arith.constant 1 : i32
      %get3A_381 = arith.index_cast %get3A_380 : i32 to index
      %get3A_382 = arith.constant 16 : index
      %get3A_383 = tpu.vector_load %arg7[%get3A_381, %get3A_382] {strides = array<i32>} : memref<2x64xf32, #tpu.memory_space<vmem>>, vector<16xf32>,
      %mul3A_384 = arith.mulf %max3A_149, %get3A_383 : vector<16xf32>
      %add3A_385 = arith.addf %add3A_379, %mul3A_384 : vector<16xf32>
      %get3A_386 = arith.constant 1 : i32
      %get3A_387 = arith.index_cast %get3A_386 : i32 to index
      %get3A_388 = arith.constant 32 : index
      %get3A_389 = tpu.vector_load %arg7[%get3A_387, %get3A_388] {strides = array<i32>} : memref<2x64xf32, #tpu.memory_space<vmem>>, vector<16xf32>,
      %mul3A_390 = arith.mulf %max3A_223, %get3A_389 : vector<16xf32>
      %add3A_391 = arith.addf %add3A_385, %mul3A_390 : vector<16xf32>
      %get3A_392 = arith.constant 1 : i32
      %get3A_393 = arith.index_cast %get3A_392 : i32 to index
      %get3A_394 = arith.constant 48 : index
      %get3A_395 = tpu.vector_load %arg7[%get3A_393, %get3A_394] {strides = array<i32>} : memref<2x64xf32, #tpu.memory_space<vmem>>, vector<16xf32>,
      %mul3A_396 = arith.mulf %max3A_297, %get3A_395 : vector<16xf32>
      %add3A_397 = arith.addf %add3A_391, %mul3A_396 : vector<16xf32>
      %slice3A_398 = vector.extract_strided_slice %add3A_397 {offsets = [0], sizes = [1], strides = [1]} : vector<16xf32> to vector<1xf32>
      %squeeze3A_399 = vector.extract %slice3A_398[0] : f32 from vector<1xf32>
      %slice3A_400 = vector.extract_strided_slice %add3A_397 {offsets = [1], sizes = [1], strides = [1]} : vector<16xf32> to vector<1xf32>
      %squeeze3A_401 = vector.extract %slice3A_400[0] : f32 from vector<1xf32>
      %add3A_402 = arith.addf %squeeze3A_399, %squeeze3A_401 : f32
      %slice3A_403 = vector.extract_strided_slice %add3A_397 {offsets = [2], sizes = [1], strides = [1]} : vector<16xf32> to vector<1xf32>
      %squeeze3A_404 = vector.extract %slice3A_403[0] : f32 from vector<1xf32>
      %add3A_405 = arith.addf %add3A_402, %squeeze3A_404 : f32
      %slice3A_406 = vector.extract_strided_slice %add3A_397 {offsets = [3], sizes = [1], strides = [1]} : vector<16xf32> to vector<1xf32>
      %squeeze3A_407 = vector.extract %slice3A_406[0] : f32 from vector<1xf32>
      %add3A_408 = arith.addf %add3A_405, %squeeze3A_407 : f32
      %slice3A_409 = vector.extract_strided_slice %add3A_397 {offsets = [4], sizes = [1], strides = [1]} : vector<16xf32> to vector<1xf32>
      %squeeze3A_410 = vector.extract %slice3A_409[0] : f32 from vector<1xf32>
      %add3A_411 = arith.addf %add3A_408, %squeeze3A_410 : f32
      %slice3A_412 = vector.extract_strided_slice %add3A_397 {offsets = [5], sizes = [1], strides = [1]} : vector<16xf32> to vector<1xf32>
      %squeeze3A_413 = vector.extract %slice3A_412[0] : f32 from vector<1xf32>
      %add3A_414 = arith.addf %add3A_411, %squeeze3A_413 : f32
      %slice3A_415 = vector.extract_strided_slice %add3A_397 {offsets = [6], sizes = [1], strides = [1]} : vector<16xf32> to vector<1xf32>
      %squeeze3A_416 = vector.extract %slice3A_415[0] : f32 from vector<1xf32>
      %add3A_417 = arith.addf %add3A_414, %squeeze3A_416 : f32
      %slice3A_418 = vector.extract_strided_slice %add3A_397 {offsets = [7], sizes = [1], strides = [1]} : vector<16xf32> to vector<1xf32>
      %squeeze3A_419 = vector.extract %slice3A_418[0] : f32 from vector<1xf32>
      %add3A_420 = arith.addf %add3A_417, %squeeze3A_419 : f32
      %slice3A_421 = vector.extract_strided_slice %add3A_397 {offsets = [8], sizes = [1], strides = [1]} : vector<16xf32> to vector<1xf32>
      %squeeze3A_422 = vector.extract %slice3A_421[0] : f32 from vector<1xf32>
      %add3A_423 = arith.addf %add3A_420, %squeeze3A_422 : f32
      %slice3A_424 = vector.extract_strided_slice %add3A_397 {offsets = [9], sizes = [1], strides = [1]} : vector<16xf32> to vector<1xf32>
      %squeeze3A_425 = vector.extract %slice3A_424[0] : f32 from vector<1xf32>
      %add3A_426 = arith.addf %add3A_423, %squeeze3A_425 : f32
      %slice3A_427 = vector.extract_strided_slice %add3A_397 {offsets = [10], sizes = [1], strides = [1]} : vector<16xf32> to vector<1xf32>
      %squeeze3A_428 = vector.extract %slice3A_427[0] : f32 from vector<1xf32>
      %add3A_429 = arith.addf %add3A_426, %squeeze3A_428 : f32
      %slice3A_430 = vector.extract_strided_slice %add3A_397 {offsets = [11], sizes = [1], strides = [1]} : vector<16xf32> to vector<1xf32>
      %squeeze3A_431 = vector.extract %slice3A_430[0] : f32 from vector<1xf32>
      %add3A_432 = arith.addf %add3A_429, %squeeze3A_431 : f32
      %slice3A_433 = vector.extract_strided_slice %add3A_397 {offsets = [12], sizes = [1], strides = [1]} : vector<16xf32> to vector<1xf32>
      %squeeze3A_434 = vector.extract %slice3A_433[0] : f32 from vector<1xf32>
      %add3A_435 = arith.addf %add3A_432, %squeeze3A_434 : f32
      %slice3A_436 = vector.extract_strided_slice %add3A_397 {offsets = [13], sizes = [1], strides = [1]} : vector<16xf32> to vector<1xf32>
      %squeeze3A_437 = vector.extract %slice3A_436[0] : f32 from vector<1xf32>
      %add3A_438 = arith.addf %add3A_435, %squeeze3A_437 : f32
      %slice3A_439 = vector.extract_strided_slice %add3A_397 {offsets = [14], sizes = [1], strides = [1]} : vector<16xf32> to vector<1xf32>
      %squeeze3A_440 = vector.extract %slice3A_439[0] : f32 from vector<1xf32>
      %add3A_441 = arith.addf %add3A_438, %squeeze3A_440 : f32
      %slice3A_442 = vector.extract_strided_slice %add3A_397 {offsets = [15], sizes = [1], strides = [1]} : vector<16xf32> to vector<1xf32>
      %squeeze3A_443 = vector.extract %slice3A_442[0] : f32 from vector<1xf32>
      %add3A_444 = arith.addf %add3A_441, %squeeze3A_443 : f32
      %eq3A_445 = arith.constant 1 : i32
      %eq3A_446 = vector.broadcast %eq3A_445 : i32 to vector<16xi32>
      %eq3A_447 = arith.cmpi eq, %iota3A, %eq3A_446 : vector<16xi32>
      %broadcast_in_dim3A_448 = vector.broadcast %add3A_444 : f32 to vector<16xf32>
      %select_n3A_449 = arith.select %eq3A_447, %broadcast_in_dim3A_448, %select_n3A : vector<16xi1>, vector<16xf32>
      %get3A_450 = arith.constant 0 : index
      %get3A_451 = tpu.vector_load %arg8[%get3A_450] {strides = array<i32>} : memref<16xf32, #tpu.memory_space<vmem>>, vector<16xf32>,
      %add3A_452 = arith.addf %select_n3A_449, %get3A_451 : vector<16xf32>
      %swap3A = arith.constant 0 : index
      %swap3A_453 = tpu.vector_load %arg9[%swap3A] {strides = array<i32>} : memref<16xf32, #tpu.memory_space<vmem>>, vector<16xf32>,
      tpu.vector_store %arg9[%swap3A], %add3A_452 {strides = array<i32>} : memref<16xf32, #tpu.memory_space<vmem>>, vector<16xf32>,
      %run_scoped3A = arith.constant 0 : i32
      "tpu.region"() ({
        %run_scoped3A_454 = tpu.sem_alloc : memref<!tpu.dma_semaphore, #tpu.memory_space<semaphore_mem>>
        %dma_start3A = arith.constant 0 : i32
        %dma_start3A_455 = tpu.memref_slice %arg9[%dma_start3A] : memref<16xf32, #tpu.memory_space<vmem>> -> memref<2xf32, #tpu.memory_space<vmem>>
        %dma_start3A_456 = arith.constant 0 : i32
        %dma_start3A_457 = tpu.memref_slice %arg5[%run_scoped3A, %dma_start3A_456] : memref<1x2xf32, #tpu.memory_space<hbm>> -> memref<1x2xf32, #tpu.memory_space<hbm>>
        %dma_start3A_458 = tpu.memref_squeeze %dma_start3A_457 : memref<1x2xf32, #tpu.memory_space<hbm>> -> memref<2xf32, #tpu.memory_space<hbm>>
        %dma_start3A_459 = arith.constant 0 : i32
        %dma_start3A_460 = tpu.memref_slice %arg5[%run_scoped3A, %dma_start3A_459] : memref<1x2xf32, #tpu.memory_space<hbm>> -> memref<1x2xf32, #tpu.memory_space<hbm>>
        %dma_start3A_461 = tpu.memref_squeeze %dma_start3A_460 : memref<1x2xf32, #tpu.memory_space<hbm>> -> memref<2xf32, #tpu.memory_space<hbm>>
        %dma_start3A_462 = arith.constant 0 : i32
        %dma_start3A_463 = tpu.memref_slice %arg9[%dma_start3A_462] : memref<16xf32, #tpu.memory_space<vmem>> -> memref<2xf32, #tpu.memory_space<vmem>>
        tpu.enqueue_dma source(%dma_start3A_463 : memref<2xf32, #tpu.memory_space<vmem>>) target(%dma_start3A_461 : memref<2xf32, #tpu.memory_space<hbm>>) target_semaphore(%run_scoped3A_454 : memref<!tpu.dma_semaphore, #tpu.memory_space<semaphore_mem>>)
        %dma_wait3A = arith.constant 0 : i32
        %dma_wait3A_464 = tpu.memref_slice %arg9[%dma_wait3A] : memref<16xf32, #tpu.memory_space<vmem>> -> memref<2xf32, #tpu.memory_space<vmem>>
        %dma_wait3A_465 = arith.constant 0 : i32
        %dma_wait3A_466 = tpu.memref_slice %arg5[%run_scoped3A, %dma_wait3A_465] : memref<1x2xf32, #tpu.memory_space<hbm>> -> memref<1x2xf32, #tpu.memory_space<hbm>>
        %dma_wait3A_467 = tpu.memref_squeeze %dma_wait3A_466 : memref<1x2xf32, #tpu.memory_space<hbm>> -> memref<2xf32, #tpu.memory_space<hbm>>
        %dma_wait3A_468 = arith.constant 0 : i32
        %dma_wait3A_469 = tpu.memref_slice %arg5[%run_scoped3A, %dma_wait3A_468] : memref<1x2xf32, #tpu.memory_space<hbm>> -> memref<1x2xf32, #tpu.memory_space<hbm>>
        %dma_wait3A_470 = tpu.memref_squeeze %dma_wait3A_469 : memref<1x2xf32, #tpu.memory_space<hbm>> -> memref<2xf32, #tpu.memory_space<hbm>>
        %dma_wait3A_471 = arith.constant 0 : i32
        %dma_wait3A_472 = tpu.memref_slice %arg9[%dma_wait3A_471] : memref<16xf32, #tpu.memory_space<vmem>> -> memref<2xf32, #tpu.memory_space<vmem>>
        tpu.wait_dma2 semaphore(%run_scoped3A_454 : memref<!tpu.dma_semaphore, #tpu.memory_space<semaphore_mem>>) src(%dma_wait3A_472 : memref<2xf32, #tpu.memory_space<vmem>>) dst(%dma_wait3A_470 : memref<2xf32, #tpu.memory_space<hbm>>)
        tpu.yield
      }) : () -> ()
    } else {
    }
    return
  }
}

</mosaic_0001>

<sc_bundles>
// kernel: kernel.4.cloned.1.call-start
scs
__scs_entry_jumppad:
0x0: {  	(pc) =	sbr.rel $0x88, $3  }
0x1: {  	(tag) =	ssettag $0x0;
	lr =	simm.s32 $0x1  }
0x2: {  	[smem:$0x3F9D] =	sst lr;
	_ =	strace $0xD0000000  }
0x3: {  	_ = 	snop  }
0x4: {  	_ = 	snop  }
0x5: {  	_ = 	snop  }
0x6: {  	_ = 	snop  }
0x7: {  	_ = 	snop  }
__scs_overlays_trampoline_lowered:
0x8: {  	[smem:$0x3FAC] =	sst s0  }
0x9: {  	[smem:$0x3FAD] =	sst s1  }
0xa: {  	[smem:$0x3FAE] =	sst s2  }
0xb: {  	[smem:$0x3FAF] =	sst s3  }
0xc: {  	[smem:$0x3FB0] =	sst s4  }
0xd: {  	[smem:$0x3FB1] =	sst s5  }
0xe: {  	[smem:$0x3FB2] =	sst s6  }
0xf: {  	[smem:$0x3FB3] =	sst s7  }
0x10: {  	[smem:$0x3FB4] =	sst s8  }
0x11: {  	[smem:$0x3FB5] =	sst s9;
	s0 =	simm.s32 @!p0 $0x0  }
0x12: {  	s1 =	sld [smem:$0x3F9B];
	s0 =	simm.s32 @p0 $0x1  }
0x13: {  	[smem:$0x3FB6] =	sst s0;
	s0 =	simm.s32 @!p1 $0x0  }
0x14: {  	s2 =	sld [smem:$0x3F9A];
	s0 =	simm.s32 @p1 $0x1  }
0x15: {  	[smem:$0x3FB7] =	sst s0;
	s0 =	simm.s32 @!p2 $0x0  }
0x16: {  	s3 =	sld [smem:$0x3FDB];
	s0 =	simm.s32 @p2 $0x1  }
0x17: {  	s4 =	simm.s32 $0x1BF5;
	[smem:$0x3FB9] =	sst s0  }
0x18: {  	s0 =	sld [smem:$0x3F9C];
	_ =	swait.ge [sflag:s4], $0x0  }
0x19: {  	s7 =	sld [smem:$0x3F9D]  }
0x1a: {  	s8 =	sadd.s32 $0xFFFFE003, lr  }
0x1b: {  	s9 =	sadd.s32 $0xFFFFFEF7, lr;
	s5 =	simm.s32 $0xFFFFFFFF;
	p2 =	slt.u32 s8, $0xFFFFF086  }
0x1c: {  	p1 =	slt.u32 s9, $0xF7A;
	s5 =	simm.s32 @!p2 $0x0  }
0x1d: {  	s5 =	simm.s32 @p1 $0x1;
	p0 =	seq.s32 s7, s2  }
0x1e: {  	s7 =	smul.u32 @!p0 $0xF7A, s2;
	p2 =	seq.s32 @!p0 s5, $0x0  }
0x1f: {  	s9 =	smul.u32 $0xF7A, s1;
	s8 =	simm.s32 @!p0 $0x1BF5;
	p2 =	por !p2, p0  }
0x20: {  	[sflag:s8] =	ssyncset.s32 @!p0 $0xFFFFF086;
	s6 =	sadd.s32 @!p0 s3, s7;
	s7 =	simm.s32 @!p0 $0x108  }
0x21: {  	s3 =	sadd.s32 s3, s9;
	s6 =	sadd.s32 @!p0 $0x88, s6;
	s7 =	simm.s32 @p2 $0x1082  }
0x22: {  	[simem:s7], [sflag:s8] =	dma.local @!p0 [hbm:s6], $0xF7A  }
0x23: {  	s9 =	sor.u32 $0xD0000000, s2;
	s6 =	simm.s32 $0x108;
	_ =	swait.ge @!p0 [sflag:s8], $0x0  }
0x24: {  	s3 =	sadd.s32 $0x88, s3;
	s6 =	simm.s32 @!p1 $0x1082;
	[sflag:s4] =	ssyncset.s32 $0xFFFFF086  }
0x25: {  	[simem:s6], [sflag:s4] =	dma.local [hbm:s3], $0xF7A  }
0x26: {  	[smem:$0x3F9D] =	sst s1;
	(tag) =	ssettag s2;
	_ =	strace s9  }
0x27: {  	s1 =	sld [smem:$0x3FAD]  }
0x28: {  	s2 =	sld [smem:$0x3FAE]  }
0x29: {  	s4 =	sld [smem:$0x3FB0]  }
0x2a: {  	p0 =	seq.s32 s5, $0x0;
	s5 =	sld [smem:$0x3FB1]  }
0x2b: {  	s6 =	sld [smem:$0x3FB2]  }
0x2c: {  	s7 =	sld [smem:$0x3FB3]  }
0x2d: {  	s3 =	simm.s32 $0x108;
	s8 =	sld [smem:$0x3FB4]  }
0x2e: {  	s3 =	simm.s32 @!p0 $0x1082;
	s9 =	sld [smem:$0x3FB5]  }
0x2f: {  	lr =	sadd.s32 s0, s3;
	s0 =	sld [smem:$0x3FAC]  }
0x30: {  	s3 =	sld [smem:$0x3FAF]  }
0x31: {  	[smem:$0x3FB8] =	sst s10  }
0x32: {  	s10 =	sld [smem:$0x3FB6];
	_ =	sdelay $0x3  }
0x33: {  	p0 =	seq.s32 s10, $0x1;
	s10 =	sld [smem:$0x3FB8];
	_ =	sdelay $0x3  }
0x34: {  	[smem:$0x3FB8] =	sst s10  }
0x35: {  	s10 =	sld [smem:$0x3FB7];
	_ =	sdelay $0x3  }
0x36: {  	p1 =	seq.s32 s10, $0x1;
	s10 =	sld [smem:$0x3FB8];
	_ =	sdelay $0x3  }
0x37: {  	[smem:$0x3FB8] =	sst s10  }
0x38: {  	s10 =	sld [smem:$0x3FB9]  }
0x39: {  	_ = 	snop;
	(pc) =	sbr.ind lr, $3  }
0x3a: {  	_ = 	snop  }
0x3b: {  	_ = 	snop  }
0x3c: {  	p2 =	seq.s32 s10, $0x1;
	s10 =	sld [smem:$0x3FB8]  }
0x3d: {  	_ =	shalt  }
0x3e: {  	_ =	shalt  }
0x3f: {  	_ =	shalt  }
0x40: {  	_ =	shalt  }
0x41: {  	_ =	shalt  }
0x42: {  	_ =	shalt  }
0x43: {  	_ =	shalt  }
0x44: {  	_ =	shalt  }
0x45: {  	_ =	shalt  }
0x46: {  	_ =	shalt  }
0x47: {  	_ =	shalt  }
0x48: {  	_ =	shalt  }
0x49: {  	_ =	shalt  }
0x4a: {  	_ =	shalt  }
0x4b: {  	_ =	shalt  }
0x4c: {  	_ =	shalt  }
0x4d: {  	_ =	shalt  }
0x4e: {  	_ =	shalt  }
0x4f: {  	_ =	shalt  }
0x50: {  	_ =	shalt  }
0x51: {  	_ =	shalt  }
0x52: {  	_ =	shalt  }
0x53: {  	_ =	shalt  }
0x54: {  	_ =	shalt  }
0x55: {  	_ =	shalt  }
0x56: {  	_ =	shalt  }
0x57: {  	_ =	shalt  }
0x58: {  	_ =	shalt  }
0x59: {  	_ =	shalt  }
0x5a: {  	_ =	shalt  }
0x5b: {  	_ =	shalt  }
0x5c: {  	_ =	shalt  }
0x5d: {  	_ =	shalt  }
0x5e: {  	_ =	shalt  }
0x5f: {  	_ =	shalt  }
0x60: {  	_ =	shalt  }
0x61: {  	_ =	shalt  }
0x62: {  	_ =	shalt  }
0x63: {  	_ =	shalt  }
0x64: {  	_ =	shalt  }
0x65: {  	_ =	shalt  }
0x66: {  	_ =	shalt  }
0x67: {  	_ =	shalt  }
0x68: {  	_ =	shalt  }
0x69: {  	_ =	shalt  }
0x6a: {  	_ =	shalt  }
0x6b: {  	_ =	shalt  }
0x6c: {  	_ =	shalt  }
0x6d: {  	_ =	shalt  }
0x6e: {  	_ =	shalt  }
0x6f: {  	_ =	shalt  }
0x70: {  	_ =	shalt  }
0x71: {  	_ =	shalt  }
0x72: {  	_ =	shalt  }
0x73: {  	_ =	shalt  }
0x74: {  	_ =	shalt  }
0x75: {  	_ =	shalt  }
0x76: {  	_ =	shalt  }
0x77: {  	_ =	shalt  }
0x78: {  	_ =	shalt  }
0x79: {  	_ =	shalt  }
0x7a: {  	_ =	shalt  }
0x7b: {  	_ =	shalt  }
0x7c: {  	_ =	shalt  }
0x7d: {  	_ =	shalt  }
0x7e: {  	_ =	shalt  }
0x7f: {  	_ =	shalt  }
0x80: {  	_ =	shalt  }
0x81: {  	_ =	shalt  }
0x82: {  	_ =	shalt  }
0x83: {  	_ =	shalt  }
0x84: {  	_ =	shalt  }
0x85: {  	_ =	shalt  }
0x86: {  	_ =	shalt  }
0x87: {  	_ =	shalt  }
.Lfunc_end0:
.L_simem_size_0:
called_computation_lowered:
.L_overlay_start_0:
0x88: {  	s2 =	sld [smem:$0x3FD9]  }
0x89: {  	s3 =	sld [smem:$0x3FFE];
	_ =	sdelay $0x1  }
0x8a: {  	s1 =	srdreg.scid  }
0x8b: {  	s0 =	sand.u32 $0x1, s1  }
0x8c: {  	s17 =	sshll.u32 s0, $0xA;
	s2 =	sadd.s32 s3, s2  }
0x8d: {  	s2 =	sadd.s32 s2, s17  }
0x8e: {  	[smem:$0x3FC4] =	sst s2  }
0x8f: {  	_ = 	snop  }
0x90: {  	s2 =	sld [smem:$0x3FC9]  }
0x91: {  	s18 =	sld [smem:$0x3FC8];
	(tm) =	ssettm $0x1  }
0x92: {  	s4 =	sld [smem:$0x3FFB];
	_ =	sdelay $0x3  }
0x93: {  	_ =	strace s4  }
0x94: {  	s4 =	sld [smem:$0x3FFC];
	_ =	sdelay $0x3  }
0x95: {  	_ =	strace s4  }
0x96: {  	s4 =	sld [smem:$0x3FFD];
	_ =	sdelay $0x3  }
0x97: {  	_ =	strace s4  }
0x98: {  	_ =	strace $0x8FFFFFFF  }
0x99: {  	s19 =	sld [smem:$0x3FDB];
	_ =	sdelay $0x1  }
0x9a: {  	s5 =	simm.s32 $_scs_section_size  }
0x9b: {  	s6 =	simm.s32 $_size__tile_overlayer_lowered;
	s7 =	simm.s32 $_tile_overlayer_lowered  }
0x9c: {  	s22 =	simm.s32 $0x1BFF;
	s21 =	sshll.u32 s7, $0x1;
	s4 =	sadd.s32 s5, s19  }
0x9d: {  	s8 =	simm.s32 $0x0;
	s20 =	sshll.u32 s6, $0x1;
	s6 =	sadd.s32 s21, s4  }
0x9e: {  	[timem:s8], [sflag:s22] =	dma.local [hbm:s6], s20  }
0x9f: {  	_ =	swait.ge [sflag:s22], s20  }
0xa0: {  	s5 =	ssub.s32 $0x0, s20;
	[sflag:s22] =	ssyncset.done $0x0  }
0xa1: {  	[sflag:s22] =	ssyncadd.s32 s5;
	_ =	sdelay $0x1  }
0xa2: {  	s23 =	simm.s32 $0x1B8B  }
0xa3: {  	_ =	swait.ge [sflag:s23], $0x1  }
0xa4: {  	[sflag:s23] =	ssyncset.done $0x0  }
0xa5: {  	s25 =	simm.s32 $0x1B8E;
	s24 =	sld [smem:$0x3FFE];
	[sflag:s23] =	ssyncadd.s32 $0xFFFFFFFF  }
0xa6: {  	s26 =	simm.s32 $execute0_lowered;
	[smem:$0x3FD2] =	sst s25  }
0xa7: {  	s6 =	sshll.u32 s26, $0x1;
	_ =	strace $0x80000046;
	[dreg:$0x1] =	wrdreg $0xFFFFFFFF  }
0xa8: {  	s28 =	simm.s32 $_size_execute0_lowered;
	s4 =	sadd.s32 s4, s6;
	[dreg:$0x0] =	wrdreg $0x0  }
0xa9: {  	s6 =	sshll.u32 s28, $0x1;
	[dreg:$0x2] =	wrdreg s4  }
0xaa: {  	[dreg:$0x3] =	wrdreg s6  }
0xab: {  	[dreg:$0x4] =	wrdreg $0xC0  }
0xac: {  	_ =	task [dreg:s8], $0x5FFFF  }
0xad: {  	[dreg:$0x1] =	wrdreg $0xFFFFFFFF  }
0xae: {  	[dreg:$0x0] =	wrdreg $0x60  }
0xaf: {  	[dreg:$0x2] =	wrdreg s2  }
0xb0: {  	[dreg:$0x3] =	wrdreg s18  }
0xb1: {  	[dreg:$0x4] =	wrdreg s24  }
0xb2: {  	[dreg:$0x5] =	wrdreg $0x9  }
0xb3: {  	_ =	task.clear_ibuf [dreg:s8], $0x6FFFF;
	_ =	strace $0x90000046  }
0xb4: {  	s29 =	simm.s32 $0x9;
	_ =	strace $0x80000048  }
0xb5: {  	_ =	swait.ge [sflag:s29], $0x1  }
0xb6: {  	[sflag:s29] =	ssyncadd.s32 $0xFFFFFFFF  }
0xb7: {  	_ =	strace $0x90000048  }
0xb8: {  	_ =	sfence  }
0xb9: {  	s30 =	sld [smem:$0x0];
	_ =	sdelay $0x2  }
0xba: {  	s31 =	sshll.u32 s1, $0xD;
	s1 =	sshrl.u32 s1, $0x2  }
0xbb: {  	s3 =	sand.u32 $0x4000, s31;
	s1 =	sadd.s32 s1, s30  }
0xbc: {  	s0 =	sor.u32 s3, s0;
	s1 =	sshll.u32 s1, $0x11  }
0xbd: {  	s0 =	sor.u32 s1, s0  }
0xbe: {  	s0 =	sadd.s32 $0x8F2B, s0  }
0xbf: {  	[sflag:s0] =	ssyncadd.remote.s32 $0x1  }
0xc0: {  	_ =	sfence.sel $0xFFFF  }
0xc1: {  	[dreg:$0x0] =	wrdreg $0xFFFFFFFF;
	(pc) =	sbr.abs _section_cstart, $3  }
0xc2: {  	[dreg:$0x1] =	wrdreg $0xFFFFFFFF  }
0xc3: {  	_ =	task.clear_ibuf [dreg:s8], $0x2FFFF;
	_ =	strace $0x9FFFFFFF  }
0xc4: {  	(tm) =	ssettm $0x7FFFFFFF  }
0xc5: {  	_ =	shalt  }
tec
execute0_lowered:
.L_overlay_start_1:
0x0: {  	(tag) =	ssettag $0x1  }
0x1: {  	s1 =	srdreg.scid;
	s3 =	stileid.u32  }
0x2: {  	s1 =	sand.u32 $0x1, s1;
	s4 =	sshll.u32 s3, $0x1  }
0x3: {  	s4 =	sor.u32 s1, s4  }
0x4: {  	p0 =	sgt.u32 s4, $0x18  }
.Ltmp0:
0x5: {  	_ = 	snop;
	(pc) =	sbr.rel @p0 .LBB2_3-.Ltmp0, $4  }
0x6: {  	s0 =	rddreg [dreg:$0x0]  }
0x7: {  	s2 =	rddreg [dreg:$0x1];
	s3 =	simm.s32 $0x0  }
0x8: {  	[smem:$0x7FF] =	sst s3  }
0x9: {  	s5 =	rddreg [dreg:$0x2];
	_ =	strace $0x80000047  }
0xa: {  	s6 =	sshll.u32 s4, $0x4;
	s1 =	ssub.s32 $0x2, s1;
	s0 =	sadd.s32 s0, s4  }
0xb: {  	s7 =	simm.s32 $0x400;
	s8 =	simm.s32 $0x7A1400;
	s9 =	simm.s32 $0x80  }
0xc: {  	s10 =	simm.s32 $0x2080;
	s11 =	simm.s32 $0x4080;
	s12 =	simm.s32 $0x6080  }
0xd: {  	s13 =	simm.s32 $0x8080;
	s14 =	simm.s32 $0xA080;
	s15 =	simm.s32 $0x2  }
0xe: {  	s16 =	simm.s32 $0x3;
	s17 =	simm.s32 $0x4;
	s31 =	simm.s32 $0xC080  }
0xf: {  	v0 =	vlaneseq.u32;
	s18 =	simm.s32 $0x5;
	s19 =	simm.s32 $0x6;
	s5 =	sadd.s32 s6, s5  }
0x10: {  	s30 =	sshrl.u32 s1, $0x1;
	[dreg:$0x5] =	wrdreg s0;
	s6 =	simm.s32 $0x1;
	v0 =	vmul.u32 $0x80, v0  }
0x11: {  	[dreg:$0x6] =	wrdreg s31;
	s5 =	sadd.s32 $0x800, s5;
	s1 =	ssub.s32 s1, s30  }
0x12: {  	[dreg:$0x4] =	wrdreg s5;
	s4 =	smax.u32 s1, $0x1;
	s5 =	simm.s32 $0x7;
	v1 =	vor.u32 $0x800, v0;
	v2 =	vor.u32 $0x1000, v0;
	v3 =	vor.u32 $0x1800, v0  }
.LBB2_2:
0x13: {  	s0 =	rddreg [dreg:$0x5]  }
0x14: {  	[tilespmem:s3], [sflag:$0x7] =	stream.linear.gather [hbm4b:s0+s3], $0x8, $0x38;
	[tilespmem:$0xC100] =	vst v63  }
0x15: {  	_ =	swait.ge [sflag:s5], $0x8  }
0x16: {  	[sflag:s5] =	ssyncset.done $0x0  }
0x17: {  	[sflag:s5] =	ssyncadd.s32 $0xFFFFFFF8  }
0x18: {  	v4 =	vld [tilespmem:$0x0];
	_ =	sdelay $0x4  }
0x19: {  	(v2sf) =	vpush v4, $0x0  }
0x1a: {  	(v2sf) =	vpush v4, $0x1;
	_ =	sdelay $0x1  }
0x1b: {  	(v2sf) =	vpush v4, $0x2;
	_ =	sdelay $0x2  }
0x1c: {  	(v2sf) =	vpush v4, $0x3;
	_ =	sdelay $0x8  }
0x1d: {  	s28 =	spop (v2sf)  }
0x1e: {  	s22 =	spop (v2sf);
	s24 =	sand.u32 $0x7F, s28;
	s1 =	sshra.s32 s28, $0x1F  }
0x1f: {  	p0 =	slt.s32 s28, $0x1;
	p1 =	sne.s32 s24, $0x0;
	s25 =	sshrl.u32 s1, $0x19  }
0x20: {  	(v2sf) =	vpush v4, $0x4;
	s20 =	spop (v2sf);
	s1 =	simm.s32 $0x1;
	s21 =	sand.u32 $0x7F, s22  }
0x21: {  	s23 =	sshra.s32 s22, $0x1F;
	p5 =	slt.s32 s22, $0x1;
	p0 =	por !p0, !p1  }
0x22: {  	s0 =	sadd.s32 s25, s28;
	p6 =	sne.s32 s21, $0x0;
	s26 =	sshrl.u32 s23, $0x19  }
0x23: {  	s23 =	simm.s32 $0x1;
	s21 =	spop (v2sf);
	s29 =	sand.u32 $0x7F, s20  }
0x24: {  	s24 =	sshra.s32 s20, $0x1F;
	p1 =	slt.s32 s20, $0x1;
	p0 =	por !p0, !p0  }
0x25: {  	s0 =	sshrl.u32 s0, $0x7;
	p2 =	sne.s32 s29, $0x0;
	s30 =	sshrl.u32 s24, $0x19  }
0x26: {  	s3 =	sand.u32 $0x7F, s21;
	s25 =	sshra.s32 s21, $0x1F;
	p3 =	slt.s32 s21, $0x1  }
0x27: {  	(v2sf) =	vpush v4, $0x5;
	s24 =	simm.s32 $0x1;
	s1 =	simm.s32 @!p0 $0x0;
	p0 =	por !p5, !p6  }
0x28: {  	s0 =	ssub.s32 s0, s1;
	s1 =	sadd.s32 s26, s22;
	p0 =	por !p0, !p0  }
0x29: {  	p4 =	sne.s32 s3, $0x0;
	s1 =	sshrl.u32 s1, $0x7;
	s23 =	simm.s32 @!p0 $0x0  }
0x2a: {  	s26 =	sshrl.u32 s25, $0x19;
	p0 =	por !p1, !p2;
	s1 =	ssub.s32 s1, s23  }
0x2b: {  	p0 =	por !p0, !p0;
	s23 =	simm.s32 $0x1;
	s31 =	sshll.u32 s1, $0x7  }
0x2c: {  	s1 =	sadd.s32 s30, s20;
	s23 =	simm.s32 @!p0 $0x0;
	p0 =	por !p3, !p4  }
0x2d: {  	s0 =	sshll.u32 s0, $0x7;
	s1 =	sshrl.u32 s1, $0x7;
	p0 =	por !p0, !p0  }
0x2e: {  	s1 =	ssub.s32 s1, s23;
	s23 =	sadd.s32 s26, s21;
	s24 =	simm.s32 @!p0 $0x0  }
0x2f: {  	s29 =	sshrl.u32 s23, $0x7;
	s30 =	sshll.u32 s1, $0x7;
	s23 =	spop (v2sf)  }
0x30: {  	s3 =	ssub.s32 s29, s24;
	s24 =	simm.s32 $0x1;
	s25 =	sand.u32 $0x7F, s23  }
0x31: {  	s26 =	sshra.s32 s23, $0x1F;
	p5 =	slt.s32 s23, $0x1;
	p6 =	sne.s32 s25, $0x0  }
0x32: {  	s29 =	sand.u32 $0x1FFFFF80, s0;
	s26 =	sshrl.u32 s26, $0x19;
	p0 =	por !p5, !p6  }
0x33: {  	s1 =	sadd.s32 s26, s23;
	s26 =	sadd.s32 s2, s29;
	p0 =	por !p0, !p0  }
0x34: {  	(v2sf) =	vpush v4, $0x6;
	[tilespmem:s9], [sflag:$0x1] =	stream.strided.gather [hbm4b:s26+s7], $0x2000, s8, s7, $0x38;
	[tilespmem:$0xC100] =	vst v63  }
0x35: {  	s29 =	sand.u32 $0x1FFFFF80, s31;
	s1 =	sshrl.u32 s1, $0x7;
	s24 =	simm.s32 @!p0 $0x0  }
0x36: {  	s29 =	sadd.s32 s2, s29;
	s1 =	ssub.s32 s1, s24;
	s24 =	spop (v2sf)  }
0x37: {  	[tilespmem:s10], [sflag:$0x2] =	stream.strided.gather [hbm4b:s29+s7], $0x2000, s8, s7, $0x38;
	[tilespmem:$0xC100] =	vst v63  }
0x38: {  	s25 =	sshll.u32 s3, $0x7;
	s3 =	sshra.s32 s24, $0x1F  }
0x39: {  	(v2sf) =	vpush v4, $0x7;
	s26 =	sshll.u32 s1, $0x7;
	s1 =	sshrl.u32 s3, $0x19;
	s3 =	sand.u32 $0x7F, s24  }
0x3a: {  	s29 =	sand.u32 $0x1FFFFF80, s30;
	p1 =	slt.s32 s24, $0x1;
	p2 =	sne.s32 s3, $0x0  }
0x3b: {  	s1 =	sadd.s32 s1, s24;
	s3 =	sadd.s32 s2, s29;
	p0 =	por !p1, !p2  }
0x3c: {  	[tilespmem:s11], [sflag:$0x3] =	stream.strided.gather [hbm4b:s3+s7], $0x2000, s8, s7, $0x38;
	[tilespmem:$0xC100] =	vst v63  }
0x3d: {  	s29 =	sand.u32 $0x1FFFFF80, s25;
	s3 =	simm.s32 $0x1;
	p0 =	por !p0, !p0  }
0x3e: {  	s1 =	sshrl.u32 s1, $0x7;
	s29 =	sadd.s32 s2, s29;
	s3 =	simm.s32 @!p0 $0x0  }
0x3f: {  	[tilespmem:s12], [sflag:$0x4] =	stream.strided.gather [hbm4b:s29+s7], $0x2000, s8, s7, $0x38;
	[tilespmem:$0xC100] =	vst v63  }
0x40: {  	s29 =	sand.u32 $0x1FFFFF80, s26;
	s1 =	ssub.s32 s1, s3  }
0x41: {  	s3 =	sadd.s32 s2, s29;
	s1 =	sshll.u32 s1, $0x7  }
0x42: {  	[tilespmem:s13], [sflag:$0x5] =	stream.strided.gather [hbm4b:s3+s7], $0x2000, s8, s7, $0x38;
	[tilespmem:$0xC100] =	vst v63  }
0x43: {  	s29 =	spop (v2sf);
	s3 =	sand.u32 $0x1FFFFF80, s1  }
0x44: {  	s0 =	ssub.s32 s28, s0;
	s28 =	sshra.s32 s29, $0x1F;
	s3 =	sadd.s32 s2, s3  }
0x45: {  	[tilespmem:s14], [sflag:$0x6] =	stream.strided.gather [hbm4b:s3+s7], $0x2000, s8, s7, $0x38;
	[tilespmem:$0xC100] =	vst v63  }
0x46: {  	s3 =	sshrl.u32 s28, $0x19;
	s28 =	sand.u32 $0x7F, s29  }
0x47: {  	v4 =	vadd.s32 s0, v0;
	p3 =	slt.s32 s29, $0x1;
	p4 =	sne.s32 s28, $0x0  }
0x48: {  	v5 =	vadd.s32 s0, v1;
	v6 =	vadd.s32 s0, v2;
	v7 =	vadd.s32 s0, v3;
	s0 =	simm.s32 $0x1;
	p0 =	por !p3, !p4;
	s28 =	spop (v2sf)  }
0x49: {  	s3 =	sadd.s32 s3, s29;
	p0 =	por !p0, !p0;
	_ =	swait.ge [sflag:s6], $0x2000  }
0x4a: {  	s3 =	sshrl.u32 s3, $0x7;
	s0 =	simm.s32 @!p0 $0x0;
	[sflag:s6] =	ssyncset.done $0x0  }
0x4b: {  	s0 =	ssub.s32 s3, s0;
	[sflag:s6] =	ssyncadd.s32 $0xFFFFE000  }
0x4c: {  	s0 =	sshll.u32 s0, $0x7;
	v4 =	vld.idx.msk [tilespmem:v4+s9+$0x0], $0xffff  }
0x4d: {  	s3 =	sand.u32 $0x1FFFFF80, s0;
	v5 =	vld.idx.msk [tilespmem:v5+s9+$0x0], $0xffff  }
0x4e: {  	s22 =	ssub.s32 s22, s31;
	s31 =	sand.u32 $0x7F, s28;
	v6 =	vld.idx.msk [tilespmem:v6+s9+$0x0], $0xffff;
	s3 =	sadd.s32 s2, s3  }
0x4f: {  	v7 =	vld.idx.msk [tilespmem:v7+s9+$0x0], $0xffff;
	[tilespmem:s9], [sflag:$0x1] =	stream.strided.gather [hbm4b:s3+s7], $0x2000, s8, s7, $0x38  }
0x50: {  	v8 =	vadd.s32 s22, v0;
	p6 =	slt.s32 s28, $0x1;
	p5 =	sne.s32 s31, $0x0;
	s3 =	sshra.s32 s28, $0x1F  }
0x51: {  	v9 =	vadd.s32 s22, v1;
	v10 =	vadd.s32 s22, v2;
	v11 =	vadd.s32 s22, v3;
	s22 =	simm.s32 $0x1;
	p0 =	por !p6, !p5;
	s3 =	sshrl.u32 s3, $0x19  }
0x52: {  	p0 =	por !p0, !p0;
	_ =	swait.ge [sflag:s15], $0x2000;
	s3 =	sadd.s32 s3, s28  }
0x53: {  	s22 =	simm.s32 @!p0 $0x0;
	[sflag:s15] =	ssyncset.done $0x0;
	s3 =	sshrl.u32 s3, $0x7  }
0x54: {  	[sflag:s15] =	ssyncadd.s32 $0xFFFFE000;
	s3 =	ssub.s32 s3, s22  }
0x55: {  	v8 =	vld.idx.msk [tilespmem:v8+s10+$0x0], $0xffff;
	s22 =	sshll.u32 s3, $0x7  }
0x56: {  	s30 =	ssub.s32 s20, s30;
	v9 =	vld.idx.msk [tilespmem:v9+s10+$0x0], $0xffff;
	s31 =	sand.u32 $0x1FFFFF80, s22  }
0x57: {  	v12 =	vadd.s32 s30, v0;
	v10 =	vld.idx.msk [tilespmem:v10+s10+$0x0], $0xffff;
	s20 =	sadd.s32 s2, s31  }
0x58: {  	v13 =	vadd.s32 s30, v1;
	v11 =	vld.idx.msk [tilespmem:v11+s10+$0x0], $0xffff;
	[tilespmem:s10], [sflag:$0x2] =	stream.strided.gather [hbm4b:s20+s7], $0x2000, s8, s7, $0x38  }
0x59: {  	v14 =	vadd.s32 s30, v2;
	_ =	swait.ge [sflag:s16], $0x2000  }
0x5a: {  	v15 =	vadd.s32 s30, v3;
	[sflag:s16] =	ssyncset.done $0x0  }
0x5b: {  	[sflag:s16] =	ssyncadd.s32 $0xFFFFE000  }
0x5c: {  	s25 =	ssub.s32 s21, s25;
	v12 =	vld.idx.msk [tilespmem:v12+s11+$0x0], $0xffff  }
0x5d: {  	v16 =	vadd.s32 s25, v0;
	v13 =	vld.idx.msk [tilespmem:v13+s11+$0x0], $0xffff  }
0x5e: {  	v17 =	vadd.s32 s25, v1;
	v14 =	vld.idx.msk [tilespmem:v14+s11+$0x0], $0xffff  }
0x5f: {  	v18 =	vadd.s32 s25, v2;
	v15 =	vld.idx.msk [tilespmem:v15+s11+$0x0], $0xffff;
	_ =	swait.ge [sflag:s17], $0x2000  }
0x60: {  	v19 =	vadd.s32 s25, v3;
	[sflag:s17] =	ssyncset.done $0x0  }
0x61: {  	[sflag:s17] =	ssyncadd.s32 $0xFFFFE000  }
0x62: {  	s26 =	ssub.s32 s23, s26;
	v16 =	vld.idx.msk [tilespmem:v16+s12+$0x0], $0xffff  }
0x63: {  	v20 =	vadd.s32 s26, v0;
	v17 =	vld.idx.msk [tilespmem:v17+s12+$0x0], $0xffff  }
0x64: {  	v21 =	vadd.s32 s26, v1;
	v18 =	vld.idx.msk [tilespmem:v18+s12+$0x0], $0xffff  }
0x65: {  	v22 =	vadd.s32 s26, v2;
	v19 =	vld.idx.msk [tilespmem:v19+s12+$0x0], $0xffff;
	_ =	swait.ge [sflag:s18], $0x2000  }
0x66: {  	v23 =	vadd.s32 s26, v3;
	[sflag:s18] =	ssyncset.done $0x0  }
0x67: {  	[sflag:s18] =	ssyncadd.s32 $0xFFFFE000  }
0x68: {  	s1 =	ssub.s32 s24, s1;
	v20 =	vld.idx.msk [tilespmem:v20+s13+$0x0], $0xffff  }
0x69: {  	v24 =	vadd.s32 s1, v0;
	v21 =	vld.idx.msk [tilespmem:v21+s13+$0x0], $0xffff  }
0x6a: {  	v25 =	vadd.s32 s1, v1;
	v22 =	vld.idx.msk [tilespmem:v22+s13+$0x0], $0xffff  }
0x6b: {  	v26 =	vadd.s32 s1, v2;
	v23 =	vld.idx.msk [tilespmem:v23+s13+$0x0], $0xffff;
	_ =	swait.ge [sflag:s19], $0x2000  }
0x6c: {  	v27 =	vadd.s32 s1, v3;
	[sflag:s19] =	ssyncset.done $0x0  }
0x6d: {  	[sflag:s19] =	ssyncadd.s32 $0xFFFFE000  }
0x6e: {  	s0 =	ssub.s32 s29, s0;
	v24 =	vld.idx.msk [tilespmem:v24+s14+$0x0], $0xffff  }
0x6f: {  	v28 =	vadd.s32 s0, v0;
	v25 =	vld.idx.msk [tilespmem:v25+s14+$0x0], $0xffff  }
0x70: {  	v29 =	vadd.s32 s0, v1;
	v26 =	vld.idx.msk [tilespmem:v26+s14+$0x0], $0xffff  }
0x71: {  	v30 =	vadd.s32 s0, v2;
	v27 =	vld.idx.msk [tilespmem:v27+s14+$0x0], $0xffff;
	_ =	swait.ge [sflag:s6], $0x2000  }
0x72: {  	v31 =	vadd.s32 s0, v3;
	[sflag:s6] =	ssyncset.done $0x0  }
0x73: {  	[sflag:s6] =	ssyncadd.s32 $0xFFFFE000  }
0x74: {  	s29 =	ssub.s32 s28, s22;
	v28 =	vld.idx.msk [tilespmem:v28+s9+$0x0], $0xffff  }
0x75: {  	v32 =	vadd.s32 s29, v0;
	v29 =	vld.idx.msk [tilespmem:v29+s9+$0x0], $0xffff  }
0x76: {  	v33 =	vadd.s32 s29, v1;
	v30 =	vld.idx.msk [tilespmem:v30+s9+$0x0], $0xffff  }
0x77: {  	v34 =	vadd.s32 s29, v2;
	v31 =	vld.idx.msk [tilespmem:v31+s9+$0x0], $0xffff;
	_ =	swait.ge [sflag:s15], $0x2000  }
0x78: {  	v60 =	vadd.s32 s29, v3;
	v7 =	vmax.f32 v7, v11;
	[sflag:s15] =	ssyncset.done $0x0  }
0x79: {  	v6 =	vmax.f32 v6, v10;
	v5 =	vmax.f32 v5, v9;
	v4 =	vmax.f32 v4, v8;
	[sflag:s15] =	ssyncadd.s32 $0xFFFFE000  }
0x7a: {  	v4 =	vmax.f32 v4, v12;
	v5 =	vmax.f32 v5, v13;
	v6 =	vmax.f32 v6, v14;
	v61 =	vld.idx.msk [tilespmem:v32+s10+$0x0], $0xffff  }
0x7b: {  	v7 =	vmax.f32 v7, v15;
	v4 =	vmax.f32 v4, v16;
	v5 =	vmax.f32 v5, v17;
	v62 =	vld.idx.msk [tilespmem:v33+s10+$0x0], $0xffff  }
0x7c: {  	v6 =	vmax.f32 v6, v18;
	v7 =	vmax.f32 v7, v19;
	v4 =	vmax.f32 v4, v20;
	v63 =	vld.idx.msk [tilespmem:v34+s10+$0x0], $0xffff  }
0x7d: {  	v5 =	vmax.f32 v5, v21;
	v6 =	vmax.f32 v6, v22;
	v4 =	vmax.f32 v4, v24;
	v11 =	vld.idx.msk [tilespmem:v60+s10+$0x0], $0xffff  }
0x7e: {  	v7 =	vmax.f32 v7, v23;
	v5 =	vmax.f32 v5, v25;
	v4 =	vmax.f32 v4, v28  }
0x7f: {  	v6 =	vmax.f32 v6, v26;
	v5 =	vmax.f32 v5, v29;
	v4 =	vmax.f32 v4, v61  }
0x80: {  	v7 =	vmax.f32 v7, v27;
	v6 =	vmax.f32 v6, v30;
	v5 =	vmax.f32 v5, v62;
	[tilespmem:$0xC080] =	vst v4  }
0x81: {  	v6 =	vmax.f32 v6, v63;
	v4 =	vmax.f32 v7, v31;
	[tilespmem:$0xC090] =	vst v5  }
0x82: {  	p0 =	sne.s32 s4, $0x1;
	s30 =	rddreg [dreg:$0x4];
	[tilespmem:$0xC0A0] =	vst v6;
	v4 =	vmax.f32 v4, v11  }
.Ltmp1:
0x83: {  	s3 =	simm.s32 $0x0;
	s31 =	rddreg [dreg:$0x6];
	[tilespmem:$0xC0B0] =	vst v4;
	(pc) =	sbr.rel @p0 .LBB2_2-.Ltmp1, $4  }
0x84: {  	[hbm4b:s30+s3] =	stream.linear.scatter [tilespmem:s31], [sflag:$0x7], $0x80, $0x38;
	[tilespmem:$0xC100] =	vst v63  }
0x85: {  	_ =	swait.ge [sflag:s5], $0x80  }
0x86: {  	[sflag:s5] =	ssyncset.done $0x0  }
0x87: {  	s4 =	sadd.s32 $0xFFFFFFFF, s4;
	[sflag:s5] =	ssyncadd.s32 $0xFFFFFF80  }
.LBB2_3:
0x88: {  	_ =	sfence.sel $0x180000  }
0x89: {  	[bflag:$0x0] =	sbarrier.arrive $0xFFFF  }
0x8a: {  	_ =	strace $0x90000047  }
0x8b: {  	s0 =	stileid.u32;
	[bflag:$0x2] =	sbarrier.arrive $0xFFFF  }
0x8c: {  	p0 =	sne.s32 s0, $0x0;
	s0 =	rddreg [dreg:$0x3]  }
0x8d: {  	s0 =	sadd.s32 @!p0 $0x100000, s0  }
0x8e: {  	[sflag:s0] =	ssyncadd.tile.s32 @!p0 $0x1;
	_ =	shalt  }
.Lfunc_end2:
_tile_overlayer_lowered:
.L_overlay_start_2:
0x8f: {  	(tag) =	ssettag $0x2  }
0x90: {  	s0 =	rddreg [dreg:$0x0];
	s2 =	stileid.u32  }
0x91: {  	s1 =	rddreg [dreg:$0x1];
	p0 =	sne.s32 s2, $0x0  }
0x92: {  	s3 =	rddreg [dreg:$0x2];
	[bflag:$0x3] =	sbarrier.arrive $0xFFFF;
	s2 =	simm.s32 @!p0 $0x1C07  }
0x93: {  	[timem:s3], [sflag:s2] =	dma.local @!p0 [hbm:s0], s1  }
0x94: {  	s0 =	simm.s32 @!p0 $0x7  }
0x95: {  	_ =	swait.ge @!p0 [sflag:s0], s1  }
0x96: {  	s1 =	ssub.s32 @!p0 $0x0, s1;
	[sflag:s0] =	ssyncset.done @!p0 $0x0  }
0x97: {  	[sflag:s0] =	ssyncadd.s32 @!p0 s1  }
0x98: {  	[bflag:$0x3] =	sbarrier.arrive $0xFFFF  }
0x99: {  	_ =	shalt  }

// kernel: kernel.7.cloned.1.call-start
scs
__scs_entry_jumppad:
0x0: {  	(pc) =	sbr.rel $0x88, $3  }
0x1: {  	(tag) =	ssettag $0x0;
	lr =	simm.s32 $0x1  }
0x2: {  	[smem:$0x3F9D] =	sst lr;
	_ =	strace $0xD0000000  }
0x3: {  	_ = 	snop  }
0x4: {  	_ = 	snop  }
0x5: {  	_ = 	snop  }
0x6: {  	_ = 	snop  }
0x7: {  	_ = 	snop  }
__scs_overlays_trampoline_lowered:
0x8: {  	[smem:$0x3FAC] =	sst s0  }
0x9: {  	[smem:$0x3FAD] =	sst s1  }
0xa: {  	[smem:$0x3FAE] =	sst s2  }
0xb: {  	[smem:$0x3FAF] =	sst s3  }
0xc: {  	[smem:$0x3FB0] =	sst s4  }
0xd: {  	[smem:$0x3FB1] =	sst s5  }
0xe: {  	[smem:$0x3FB2] =	sst s6  }
0xf: {  	[smem:$0x3FB3] =	sst s7  }
0x10: {  	[smem:$0x3FB4] =	sst s8  }
0x11: {  	[smem:$0x3FB5] =	sst s9;
	s0 =	simm.s32 @!p0 $0x0  }
0x12: {  	s1 =	sld [smem:$0x3F9B];
	s0 =	simm.s32 @p0 $0x1  }
0x13: {  	[smem:$0x3FB6] =	sst s0;
	s0 =	simm.s32 @!p1 $0x0  }
0x14: {  	s2 =	sld [smem:$0x3F9A];
	s0 =	simm.s32 @p1 $0x1  }
0x15: {  	[smem:$0x3FB7] =	sst s0;
	s0 =	simm.s32 @!p2 $0x0  }
0x16: {  	s3 =	sld [smem:$0x3FDB];
	s0 =	simm.s32 @p2 $0x1  }
0x17: {  	s4 =	simm.s32 $0x1BF5;
	[smem:$0x3FB9] =	sst s0  }
0x18: {  	s0 =	sld [smem:$0x3F9C];
	_ =	swait.ge [sflag:s4], $0x0  }
0x19: {  	s7 =	sld [smem:$0x3F9D]  }
0x1a: {  	s8 =	sadd.s32 $0xFFFFE003, lr  }
0x1b: {  	s9 =	sadd.s32 $0xFFFFFEF7, lr;
	s5 =	simm.s32 $0xFFFFFFFF;
	p2 =	slt.u32 s8, $0xFFFFF086  }
0x1c: {  	p1 =	slt.u32 s9, $0xF7A;
	s5 =	simm.s32 @!p2 $0x0  }
0x1d: {  	s5 =	simm.s32 @p1 $0x1;
	p0 =	seq.s32 s7, s2  }
0x1e: {  	s7 =	smul.u32 @!p0 $0xF7A, s2;
	p2 =	seq.s32 @!p0 s5, $0x0  }
0x1f: {  	s9 =	smul.u32 $0xF7A, s1;
	s8 =	simm.s32 @!p0 $0x1BF5;
	p2 =	por !p2, p0  }
0x20: {  	[sflag:s8] =	ssyncset.s32 @!p0 $0xFFFFF086;
	s6 =	sadd.s32 @!p0 s3, s7;
	s7 =	simm.s32 @!p0 $0x108  }
0x21: {  	s3 =	sadd.s32 s3, s9;
	s6 =	sadd.s32 @!p0 $0x88, s6;
	s7 =	simm.s32 @p2 $0x1082  }
0x22: {  	[simem:s7], [sflag:s8] =	dma.local @!p0 [hbm:s6], $0xF7A  }
0x23: {  	s9 =	sor.u32 $0xD0000000, s2;
	s6 =	simm.s32 $0x108;
	_ =	swait.ge @!p0 [sflag:s8], $0x0  }
0x24: {  	s3 =	sadd.s32 $0x88, s3;
	s6 =	simm.s32 @!p1 $0x1082;
	[sflag:s4] =	ssyncset.s32 $0xFFFFF086  }
0x25: {  	[simem:s6], [sflag:s4] =	dma.local [hbm:s3], $0xF7A  }
0x26: {  	[smem:$0x3F9D] =	sst s1;
	(tag) =	ssettag s2;
	_ =	strace s9  }
0x27: {  	s1 =	sld [smem:$0x3FAD]  }
0x28: {  	s2 =	sld [smem:$0x3FAE]  }
0x29: {  	s4 =	sld [smem:$0x3FB0]  }
0x2a: {  	p0 =	seq.s32 s5, $0x0;
	s5 =	sld [smem:$0x3FB1]  }
0x2b: {  	s6 =	sld [smem:$0x3FB2]  }
0x2c: {  	s7 =	sld [smem:$0x3FB3]  }
0x2d: {  	s3 =	simm.s32 $0x108;
	s8 =	sld [smem:$0x3FB4]  }
0x2e: {  	s3 =	simm.s32 @!p0 $0x1082;
	s9 =	sld [smem:$0x3FB5]  }
0x2f: {  	lr =	sadd.s32 s0, s3;
	s0 =	sld [smem:$0x3FAC]  }
0x30: {  	s3 =	sld [smem:$0x3FAF]  }
0x31: {  	[smem:$0x3FB8] =	sst s10  }
0x32: {  	s10 =	sld [smem:$0x3FB6];
	_ =	sdelay $0x3  }
0x33: {  	p0 =	seq.s32 s10, $0x1;
	s10 =	sld [smem:$0x3FB8];
	_ =	sdelay $0x3  }
0x34: {  	[smem:$0x3FB8] =	sst s10  }
0x35: {  	s10 =	sld [smem:$0x3FB7];
	_ =	sdelay $0x3  }
0x36: {  	p1 =	seq.s32 s10, $0x1;
	s10 =	sld [smem:$0x3FB8];
	_ =	sdelay $0x3  }
0x37: {  	[smem:$0x3FB8] =	sst s10  }
0x38: {  	s10 =	sld [smem:$0x3FB9]  }
0x39: {  	_ = 	snop;
	(pc) =	sbr.ind lr, $3  }
0x3a: {  	_ = 	snop  }
0x3b: {  	_ = 	snop  }
0x3c: {  	p2 =	seq.s32 s10, $0x1;
	s10 =	sld [smem:$0x3FB8]  }
0x3d: {  	_ =	shalt  }
0x3e: {  	_ =	shalt  }
0x3f: {  	_ =	shalt  }
0x40: {  	_ =	shalt  }
0x41: {  	_ =	shalt  }
0x42: {  	_ =	shalt  }
0x43: {  	_ =	shalt  }
0x44: {  	_ =	shalt  }
0x45: {  	_ =	shalt  }
0x46: {  	_ =	shalt  }
0x47: {  	_ =	shalt  }
0x48: {  	_ =	shalt  }
0x49: {  	_ =	shalt  }
0x4a: {  	_ =	shalt  }
0x4b: {  	_ =	shalt  }
0x4c: {  	_ =	shalt  }
0x4d: {  	_ =	shalt  }
0x4e: {  	_ =	shalt  }
0x4f: {  	_ =	shalt  }
0x50: {  	_ =	shalt  }
0x51: {  	_ =	shalt  }
0x52: {  	_ =	shalt  }
0x53: {  	_ =	shalt  }
0x54: {  	_ =	shalt  }
0x55: {  	_ =	shalt  }
0x56: {  	_ =	shalt  }
0x57: {  	_ =	shalt  }
0x58: {  	_ =	shalt  }
0x59: {  	_ =	shalt  }
0x5a: {  	_ =	shalt  }
0x5b: {  	_ =	shalt  }
0x5c: {  	_ =	shalt  }
0x5d: {  	_ =	shalt  }
0x5e: {  	_ =	shalt  }
0x5f: {  	_ =	shalt  }
0x60: {  	_ =	shalt  }
0x61: {  	_ =	shalt  }
0x62: {  	_ =	shalt  }
0x63: {  	_ =	shalt  }
0x64: {  	_ =	shalt  }
0x65: {  	_ =	shalt  }
0x66: {  	_ =	shalt  }
0x67: {  	_ =	shalt  }
0x68: {  	_ =	shalt  }
0x69: {  	_ =	shalt  }
0x6a: {  	_ =	shalt  }
0x6b: {  	_ =	shalt  }
0x6c: {  	_ =	shalt  }
0x6d: {  	_ =	shalt  }
0x6e: {  	_ =	shalt  }
0x6f: {  	_ =	shalt  }
0x70: {  	_ =	shalt  }
0x71: {  	_ =	shalt  }
0x72: {  	_ =	shalt  }
0x73: {  	_ =	shalt  }
0x74: {  	_ =	shalt  }
0x75: {  	_ =	shalt  }
0x76: {  	_ =	shalt  }
0x77: {  	_ =	shalt  }
0x78: {  	_ =	shalt  }
0x79: {  	_ =	shalt  }
0x7a: {  	_ =	shalt  }
0x7b: {  	_ =	shalt  }
0x7c: {  	_ =	shalt  }
0x7d: {  	_ =	shalt  }
0x7e: {  	_ =	shalt  }
0x7f: {  	_ =	shalt  }
0x80: {  	_ =	shalt  }
0x81: {  	_ =	shalt  }
0x82: {  	_ =	shalt  }
0x83: {  	_ =	shalt  }
0x84: {  	_ =	shalt  }
0x85: {  	_ =	shalt  }
0x86: {  	_ =	shalt  }
0x87: {  	_ =	shalt  }
.Lfunc_end0:
.L_simem_size_0:
called_computation.1_lowered:
.L_overlay_start_0:
0x88: {  	s0 =	sld [smem:$0x3FD9]  }
0x89: {  	s1 =	sld [smem:$0x3FFE];
	_ =	sdelay $0x3  }
0x8a: {  	s0 =	sadd.s32 s1, s0  }
0x8b: {  	[smem:$0x3FC4] =	sst s0  }
0x8c: {  	_ = 	snop  }
0x8d: {  	s0 =	sld [smem:$0x3FC7]  }
0x8e: {  	s16 =	sld [smem:$0x3FC6]  }
0x8f: {  	s2 =	sld [smem:$0x3FD0];
	(tm) =	ssettm $0x1  }
0x90: {  	s3 =	sld [smem:$0x3FFB];
	_ =	sdelay $0x3  }
0x91: {  	_ =	strace s3  }
0x92: {  	s3 =	sld [smem:$0x3FFC];
	_ =	sdelay $0x3  }
0x93: {  	_ =	strace s3  }
0x94: {  	s3 =	sld [smem:$0x3FFD];
	_ =	sdelay $0x3  }
0x95: {  	_ =	strace s3  }
0x96: {  	_ =	strace $0x8FFFFFFF  }
0x97: {  	s17 =	sld [smem:$0x3FDB];
	_ =	sdelay $0x1  }
0x98: {  	s4 =	simm.s32 $_scs_section_size  }
0x99: {  	s5 =	simm.s32 $_size__tile_overlayer_lowered;
	s6 =	simm.s32 $_tile_overlayer_lowered  }
0x9a: {  	s20 =	simm.s32 $0x1BFF;
	s19 =	sshll.u32 s6, $0x1;
	s3 =	sadd.s32 s4, s17  }
0x9b: {  	s7 =	simm.s32 $0x0;
	s18 =	sshll.u32 s5, $0x1;
	s5 =	sadd.s32 s19, s3  }
0x9c: {  	[timem:s7], [sflag:s20] =	dma.local [hbm:s5], s18  }
0x9d: {  	_ =	swait.ge [sflag:s20], s18  }
0x9e: {  	s4 =	ssub.s32 $0x0, s18;
	[sflag:s20] =	ssyncset.done $0x0  }
0x9f: {  	[sflag:s20] =	ssyncadd.s32 s4;
	_ =	sdelay $0x1  }
0xa0: {  	s21 =	simm.s32 $0x1B8B  }
0xa1: {  	_ =	swait.ge [sflag:s21], $0x1  }
0xa2: {  	[sflag:s21] =	ssyncset.done $0x0  }
0xa3: {  	s23 =	simm.s32 $0x1B8E;
	s22 =	sld [smem:$0x3FFE];
	[sflag:s21] =	ssyncadd.s32 $0xFFFFFFFF  }
0xa4: {  	s24 =	simm.s32 $execute0_lowered;
	[smem:$0x3FD2] =	sst s23  }
0xa5: {  	s5 =	sshll.u32 s24, $0x1;
	_ =	strace $0x80000049;
	[dreg:$0x1] =	wrdreg $0xFFFFFFFF  }
0xa6: {  	s25 =	simm.s32 $_size_execute0_lowered;
	s3 =	sadd.s32 s3, s5;
	[dreg:$0x0] =	wrdreg $0x0  }
0xa7: {  	s5 =	sshll.u32 s25, $0x1;
	[dreg:$0x2] =	wrdreg s3  }
0xa8: {  	[dreg:$0x3] =	wrdreg s5  }
0xa9: {  	[dreg:$0x4] =	wrdreg $0xC0  }
0xaa: {  	_ =	task [dreg:s7], $0x5FFFF  }
0xab: {  	[dreg:$0x1] =	wrdreg $0xFFFFFFFF  }
0xac: {  	[dreg:$0x0] =	wrdreg $0x60  }
0xad: {  	[dreg:$0x2] =	wrdreg s22  }
0xae: {  	[dreg:$0x3] =	wrdreg s0  }
0xaf: {  	[dreg:$0x4] =	wrdreg s16  }
0xb0: {  	[dreg:$0x5] =	wrdreg s2  }
0xb1: {  	[dreg:$0x6] =	wrdreg $0x9  }
0xb2: {  	_ =	task.clear_ibuf [dreg:s7], $0x7FFFF;
	_ =	strace $0x90000049  }
0xb3: {  	s26 =	simm.s32 $0x9;
	_ =	strace $0x8000004B  }
0xb4: {  	_ =	swait.ge [sflag:s26], $0x1  }
0xb5: {  	[sflag:s26] =	ssyncadd.s32 $0xFFFFFFFF  }
0xb6: {  	_ =	strace $0x9000004B  }
0xb7: {  	_ =	sfence  }
0xb8: {  	s28 =	sld [smem:$0x0];
	_ =	sdelay $0x1  }
0xb9: {  	s29 =	srdreg.scid  }
0xba: {  	s30 =	sshll.u32 s29, $0xD;
	s31 =	sshrl.u32 s29, $0x2  }
0xbb: {  	s1 =	sand.u32 $0x1, s29;
	s2 =	sand.u32 $0x4000, s30;
	s0 =	sadd.s32 s31, s28  }
0xbc: {  	s1 =	sor.u32 s2, s1;
	s0 =	sshll.u32 s0, $0x11  }
0xbd: {  	s0 =	sor.u32 s0, s1  }
0xbe: {  	s0 =	sadd.s32 $0x8F2B, s0  }
0xbf: {  	[sflag:s0] =	ssyncadd.remote.s32 $0x1  }
0xc0: {  	_ =	sfence.sel $0xFFFF  }
0xc1: {  	[dreg:$0x0] =	wrdreg $0xFFFFFFFF;
	(pc) =	sbr.abs _section_cstart, $3  }
0xc2: {  	[dreg:$0x1] =	wrdreg $0xFFFFFFFF  }
0xc3: {  	_ =	task.clear_ibuf [dreg:s7], $0x2FFFF;
	_ =	strace $0x9FFFFFFF  }
0xc4: {  	(tm) =	ssettm $0x7FFFFFFF  }
0xc5: {  	_ =	shalt  }
tec
execute0_lowered:
.L_overlay_start_1:
0x0: {  	(tag) =	ssettag $0x1  }
0x1: {  	s2 =	rddreg [dreg:$0x0]  }
0x2: {  	s5 =	rddreg [dreg:$0x1]  }
0x3: {  	s4 =	rddreg [dreg:$0x2]  }
0x4: {  	s1 =	rddreg [dreg:$0x3];
	s3 =	stileid.u32  }
0x5: {  	s0 =	rddreg [dreg:$0x4];
	_ =	strace $0x8000004A;
	p0 =	sne.s32 s3, $0x0  }
0x6: {  	_ =	sfence.sel @p0 $0x180000  }
0x7: {  	[bflag:$0x0] =	sbarrier.arrive @p0 $0xFFFF  }
0x8: {  	_ =	strace @p0 $0x9000004A  }
0x9: {  	[bflag:$0x2] =	sbarrier.arrive @p0 $0xFFFF  }
0xa: {  	_ =	shalt @p0  }
.LBB2_1:
0xb: {  	s2 =	sadd.s32 $0x800, s2;
	s3 =	simm.s32 $0x0  }
0xc: {  	[tilespmem:s3], [sflag:$0x1] =	stream.linear.gather [hbm4b:s2+s3], $0xC80, $0x38;
	[tilespmem:$0xE80] =	vst v63  }
0xd: {  	s2 =	simm.s32 $0x1  }
0xe: {  	_ =	swait.ge [sflag:s2], $0xC80  }
0xf: {  	[sflag:s2] =	ssyncset.done $0x0  }
0x10: {  	s6 =	simm.s32 $0xC80;
	[sflag:s2] =	ssyncadd.s32 $0xFFFFF380  }
0x11: {  	[tilespmem:s6], [sflag:$0x1] =	stream.linear.gather [hbm4b:s5+s3], $0x100, $0x38;
	[tilespmem:$0xE80] =	vst v63  }
0x12: {  	_ =	swait.ge [sflag:s2], $0x100  }
0x13: {  	[sflag:s2] =	ssyncset.done $0x0  }
0x14: {  	s25 =	simm.s32 $0xD80;
	[sflag:s2] =	ssyncadd.s32 $0xFFFFFF00  }
0x15: {  	[tilespmem:s25], [sflag:$0x1] =	stream.linear.gather [hbm4b:s4+s3], $0x2, $0x38;
	[tilespmem:$0xE80] =	vst v63  }
0x16: {  	_ =	swait.ge [sflag:s2], $0x2  }
0x17: {  	[sflag:s2] =	ssyncset.done $0x0  }
0x18: {  	[sflag:s2] =	ssyncadd.s32 $0xFFFFFFFE  }
0x19: {  	v0 =	vld [tilespmem:$0x0]  }
0x1a: {  	v1 =	vld [tilespmem:$0x80]  }
0x1b: {  	v2 =	vld [tilespmem:$0x100]  }
0x1c: {  	v3 =	vld [tilespmem:$0x180]  }
0x1d: {  	v4 =	vld [tilespmem:$0x200]  }
0x1e: {  	v5 =	vld [tilespmem:$0x280]  }
0x1f: {  	v6 =	vld [tilespmem:$0x300]  }
0x20: {  	v7 =	vld [tilespmem:$0x380]  }
0x21: {  	v8 =	vld [tilespmem:$0x400]  }
0x22: {  	v9 =	vld [tilespmem:$0x480]  }
0x23: {  	v10 =	vld [tilespmem:$0x500]  }
0x24: {  	v11 =	vld [tilespmem:$0x580]  }
0x25: {  	v12 =	vld [tilespmem:$0x600]  }
0x26: {  	v13 =	vld [tilespmem:$0x680]  }
0x27: {  	v14 =	vld [tilespmem:$0x700]  }
0x28: {  	v15 =	vld [tilespmem:$0x780]  }
0x29: {  	v16 =	vld [tilespmem:$0x800]  }
0x2a: {  	v17 =	vld [tilespmem:$0x880]  }
0x2b: {  	v18 =	vld [tilespmem:$0x900]  }
0x2c: {  	v19 =	vld [tilespmem:$0x980]  }
0x2d: {  	v20 =	vld [tilespmem:$0xA00]  }
0x2e: {  	v21 =	vld [tilespmem:$0xA80]  }
0x2f: {  	v22 =	vld [tilespmem:$0xB00]  }
0x30: {  	v23 =	vld [tilespmem:$0xB80]  }
0x31: {  	v51 =	vld [tilespmem:$0xC00]  }
0x32: {  	v53 =	vld [tilespmem:$0x10]  }
0x33: {  	v26 =	vld [tilespmem:$0x90]  }
0x34: {  	v27 =	vld [tilespmem:$0x110]  }
0x35: {  	v28 =	vld [tilespmem:$0x190]  }
0x36: {  	v29 =	vld [tilespmem:$0x210]  }
0x37: {  	v30 =	vld [tilespmem:$0x290]  }
0x38: {  	v31 =	vld [tilespmem:$0x310]  }
0x39: {  	v32 =	vld [tilespmem:$0x390]  }
0x3a: {  	v33 =	vld [tilespmem:$0x410]  }
0x3b: {  	v34 =	vld [tilespmem:$0x490]  }
0x3c: {  	v35 =	vld [tilespmem:$0x510]  }
0x3d: {  	v36 =	vld [tilespmem:$0x590]  }
0x3e: {  	v37 =	vld [tilespmem:$0x610]  }
0x3f: {  	v38 =	vld [tilespmem:$0x690]  }
0x40: {  	v39 =	vld [tilespmem:$0x710]  }
0x41: {  	v40 =	vld [tilespmem:$0x790]  }
0x42: {  	v41 =	vld [tilespmem:$0x810]  }
0x43: {  	v42 =	vld [tilespmem:$0x890]  }
0x44: {  	v43 =	vld [tilespmem:$0x910]  }
0x45: {  	v44 =	vld [tilespmem:$0x990]  }
0x46: {  	v45 =	vld [tilespmem:$0xA10]  }
0x47: {  	v46 =	vld [tilespmem:$0xA90]  }
0x48: {  	v47 =	vld [tilespmem:$0xB10]  }
0x49: {  	v48 =	vld [tilespmem:$0xB90]  }
0x4a: {  	v24 =	vld [tilespmem:$0xC10]  }
0x4b: {  	v54 =	vld [tilespmem:$0x20]  }
0x4c: {  	v55 =	vld [tilespmem:$0xA0]  }
0x4d: {  	v56 =	vld [tilespmem:$0x120]  }
0x4e: {  	v57 =	vld [tilespmem:$0x1A0]  }
0x4f: {  	v58 =	vld [tilespmem:$0x220]  }
0x50: {  	v59 =	vld [tilespmem:$0x2A0]  }
0x51: {  	v60 =	vld [tilespmem:$0x320]  }
0x52: {  	v61 =	vld [tilespmem:$0x3A0]  }
0x53: {  	v62 =	vld [tilespmem:$0x420]  }
0x54: {  	v63 =	vld [tilespmem:$0x520]  }
0x55: {  	v49 =	vld [tilespmem:$0x9A0]  }
0x56: {  	v50 =	vld [tilespmem:$0xA20]  }
0x57: {  	v52 =	vld [tilespmem:$0xB20]  }
0x58: {  	v25 =	vld [tilespmem:$0xBA0]  }
0x59: {  	[tilespmem:$0x1FFA0] =	vst v59;
	v59 =	vld [tilespmem:$0x4A0]  }
0x5a: {  	[tilespmem:$0x1FFC0] =	vst v61;
	v61 =	vld [tilespmem:$0x5A0]  }
0x5b: {  	[tilespmem:$0x1FFD0] =	vst v62;
	v62 =	vld [tilespmem:$0x620]  }
0x5c: {  	[tilespmem:$0x1FFE0] =	vst v63;
	v63 =	vld [tilespmem:$0x6A0]  }
0x5d: {  	[tilespmem:$0x1FF90] =	vst v58;
	v58 =	vld [tilespmem:$0x720]  }
0x5e: {  	[tilespmem:$0x1FF60] =	vst v55;
	v55 =	vld [tilespmem:$0x7A0]  }
0x5f: {  	[tilespmem:$0x1FF80] =	vst v57;
	v57 =	vld [tilespmem:$0x820]  }
0x60: {  	[tilespmem:$0x1FF70] =	vst v56;
	v56 =	vld [tilespmem:$0x8A0]  }
0x61: {  	[tilespmem:$0x1FF50] =	vst v54;
	v54 =	vld [tilespmem:$0x920]  }
0x62: {  	[tilespmem:$0x1FF40] =	vst v24;
	v24 =	vld [tilespmem:$0xAA0]  }
0x63: {  	[tilespmem:$0x1FFB0] =	vst v60;
	v60 =	vld [tilespmem:$0xC20]  }
0x64: {  	v0 =	vmax.f32 v0, v1;
	v1 =	vmax.f32 v2, v3;
	v2 =	vld [tilespmem:$0x30]  }
0x65: {  	v3 =	vmax.f32 v4, v5;
	v4 =	vmax.f32 v6, v7;
	v6 =	vld [tilespmem:$0xB0]  }
0x66: {  	v7 =	vmax.f32 v10, v11;
	v10 =	vld [tilespmem:$0x130]  }
0x67: {  	v5 =	vmax.f32 v8, v9;
	v9 =	vmax.f32 v14, v15;
	v14 =	vld [tilespmem:$0x1B0]  }
0x68: {  	v11 =	vmax.f32 v16, v17;
	v16 =	vld [tilespmem:$0x4B0]  }
0x69: {  	v8 =	vmax.f32 v12, v13;
	v13 =	vld [tilespmem:$0x730]  }
0x6a: {  	v17 =	vmax.f32 v3, v4;
	v3 =	vld [tilespmem:$0x230]  }
0x6b: {  	v12 =	vmax.f32 v18, v19;
	v19 =	vmax.f32 v8, v9;
	v8 =	vld [tilespmem:$0x2B0]  }
0x6c: {  	v4 =	vld [tilespmem:$0x330]  }
0x6d: {  	v0 =	vmax.f32 v0, v1;
	v1 =	vld [tilespmem:$0x3B0]  }
0x6e: {  	v21 =	vmax.f32 v20, v21;
	v20 =	vmax.f32 v11, v12;
	v11 =	vld [tilespmem:$0x430]  }
0x6f: {  	v30 =	vmax.f32 v29, v30;
	v18 =	vmax.f32 v5, v7;
	v7 =	vmax.f32 v53, v26;
	v26 =	vld [tilespmem:$0x5B0]  }
0x70: {  	v32 =	vmax.f32 v31, v32;
	v34 =	vmax.f32 v33, v34;
	v36 =	vmax.f32 v35, v36;
	v12 =	vld [tilespmem:$0x630]  }
0x71: {  	v29 =	vmax.f32 v30, v32;
	v30 =	vmax.f32 v34, v36;
	v36 =	vld [tilespmem:$0x1FF40]  }
0x72: {  	v38 =	vmax.f32 v37, v38;
	v40 =	vmax.f32 v39, v40;
	v37 =	vld [tilespmem:$0x1FF50]  }
0x73: {  	v31 =	vmax.f32 v38, v40;
	v38 =	vld [tilespmem:$0x1FF60]  }
0x74: {  	v39 =	vld [tilespmem:$0x1FF70]  }
0x75: {  	v40 =	vld [tilespmem:$0x1FF80]  }
0x76: {  	v42 =	vmax.f32 v41, v42;
	v41 =	vld [tilespmem:$0x1FF90]  }
0x77: {  	v53 =	vmax.f32 v45, v46;
	v45 =	vld [tilespmem:$0x1FFD0]  }
0x78: {  	v9 =	vmax.f32 v27, v28;
	v46 =	vld [tilespmem:$0x8B0]  }
0x79: {  	v7 =	vmax.f32 v7, v9;
	v34 =	vmax.f32 v30, v31;
	v9 =	vld [tilespmem:$0x7B0]  }
0x7a: {  	v7 =	vmax.f32 v7, v29;
	[tilespmem:$0x1FFF0] =	vst v60;
	v60 =	vmax.f32 v22, v23;
	v22 =	vmax.f32 v18, v19;
	v18 =	vld [tilespmem:$0x6B0]  }
0x7b: {  	v25 =	vmax.f32 v52, v25;
	v0 =	vmax.f32 v0, v17;
	v7 =	vmax.f32 v7, v34;
	v19 =	vld [tilespmem:$0x830]  }
0x7c: {  	v24 =	vmax.f32 v50, v24;
	v21 =	vmax.f32 v21, v60;
	v60 =	vmax.f32 v47, v48;
	v47 =	vld [tilespmem:$0x1FFE0]  }
0x7d: {  	v2 =	vmax.f32 v2, v6;
	v0 =	vmax.f32 v0, v22;
	v48 =	vmax.f32 v62, v63;
	v63 =	vld [tilespmem:$0xAB0]  }
0x7e: {  	v15 =	vmax.f32 v37, v38;
	v17 =	vmax.f32 v39, v40;
	v24 =	vmax.f32 v24, v25;
	v37 =	vld [tilespmem:$0x1FFF0]  }
0x7f: {  	v38 =	vmax.f32 v10, v14;
	v39 =	vld [tilespmem:$0xC80];
	v3 =	vmax.f32 v3, v8;
	v1 =	vmax.f32 v4, v1  }
0x80: {  	v40 =	vmax.f32 v11, v16;
	v23 =	vmax.f32 v20, v21;
	v20 =	vld [tilespmem:$0x530];
	v33 =	vmax.f32 v53, v60  }
0x81: {  	v53 =	vld [tilespmem:$0x930];
	v15 =	vmax.f32 v15, v17;
	v9 =	vmax.f32 v13, v9;
	v2 =	vmax.f32 v2, v38  }
0x82: {  	v1 =	vmax.f32 v3, v1;
	v5 =	vmax.f32 v23, v51;
	v51 =	vmax.f32 v43, v44;
	v43 =	vld [tilespmem:$0x1FFB0]  }
0x83: {  	v44 =	vld [tilespmem:$0x1FFC0];
	v23 =	vmax.f32 v45, v59;
	v1 =	vmax.f32 v2, v1;
	v32 =	vmax.f32 v42, v51  }
0x84: {  	v59 =	vld [tilespmem:$0xA30];
	v51 =	vmax.f32 v58, v55;
	v55 =	vmax.f32 v57, v56;
	v56 =	vmax.f32 v54, v49  }
0x85: {  	v0 =	vmax.f32 v0, v5;
	v42 =	vld [tilespmem:$0x1FFA0];
	v35 =	vmax.f32 v32, v33;
	v62 =	vmax.f32 v55, v56  }
0x86: {  	v57 =	vld [tilespmem:$0x9B0];
	v45 =	vmax.f32 v19, v46;
	v5 =	vmax.f32 v35, v36;
	v28 =	vmax.f32 v47, v61  }
0x87: {  	v33 =	vld [tilespmem:$0xB30];
	v61 =	vmax.f32 v48, v51;
	v35 =	vmax.f32 v62, v24;
	v50 =	vmul.f32 v39, v0  }
0x88: {  	v36 =	vld [tilespmem:$0xBB0];
	v60 =	vmax.f32 v23, v28;
	v5 =	vmax.f32 v7, v5;
	v7 =	vmax.f32 v35, v37  }
0x89: {  	v22 =	vmax.f32 v43, v44;
	v32 =	vmax.f32 v60, v61;
	v43 =	vld [tilespmem:$0xC90];
	v47 =	vmax.f32 v59, v63  }
0x8a: {  	v48 =	vld [tilespmem:$0xCA0];
	v54 =	vadd.f32 $0.0e+00, v50;
	v21 =	vmax.f32 v41, v42;
	v41 =	vmax.f32 v20, v26  }
0x8b: {  	v44 =	vld [tilespmem:$0xC30];
	v42 =	vmax.f32 v12, v18;
	v46 =	vmax.f32 v53, v57;
	v58 =	vmax.f32 v21, v22  }
0x8c: {  	v4 =	vmax.f32 v40, v41;
	v49 =	vmax.f32 v42, v9;
	v51 =	vmax.f32 v45, v46  }
0x8d: {  	v53 =	vld [tilespmem:$0xCB0];
	v15 =	vmax.f32 v15, v58;
	v17 =	vmax.f32 v33, v36;
	v4 =	vmax.f32 v4, v49  }
0x8e: {  	v15 =	vmax.f32 v15, v32;
	v52 =	vmax.f32 v47, v17;
	v55 =	vmul.f32 v43, v5  }
0x8f: {  	v1 =	vmax.f32 v1, v4;
	v7 =	vmax.f32 v15, v7;
	v9 =	vmax.f32 v51, v52  }
0x90: {  	v56 =	vmax.f32 v9, v44;
	v3 =	vmul.f32 v48, v7;
	v6 =	vadd.f32 v55, v54  }
0x91: {  	v1 =	vmax.f32 v1, v56  }
0x92: {  	v2 =	vmul.f32 v53, v1;
	v3 =	vadd.f32 v3, v6;
	_ =	sdelay $0x1  }
0x93: {  	v2 =	vadd.f32 v2, v3;
	_ =	sdelay $0x1  }
0x94: {  	(v2sf) =	vpush v2, $0x0  }
0x95: {  	v57 =	vld [tilespmem:$0xD00];
	(v2sf) =	vpush v2, $0x1  }
0x96: {  	(v2sf) =	vpush v2, $0x2  }
0x97: {  	v58 =	vld [tilespmem:$0xD10];
	(v2sf) =	vpush v2, $0x3  }
0x98: {  	(v2sf) =	vpush v2, $0x4  }
0x99: {  	v59 =	vld [tilespmem:$0xD20];
	(v2sf) =	vpush v2, $0x5  }
0x9a: {  	v0 =	vmul.f32 v57, v0;
	(v2sf) =	vpush v2, $0x6  }
0x9b: {  	v60 =	vld [tilespmem:$0xD30];
	(v2sf) =	vpush v2, $0x7  }
0x9c: {  	v0 =	vadd.f32 $0.0e+00, v0;
	v4 =	vmul.f32 v58, v5;
	(v2sf) =	vpush v2, $0x8  }
0x9d: {  	(v2sf) =	vpush v2, $0x9  }
0x9e: {  	v61 =	vmul.f32 v59, v7;
	v0 =	vadd.f32 v4, v0;
	(v2sf) =	vpush v2, $0xA  }
0x9f: {  	(v2sf) =	vpush v2, $0xB  }
0xa0: {  	v1 =	vmul.f32 v60, v1;
	v0 =	vadd.f32 v61, v0;
	(v2sf) =	vpush v2, $0xC  }
0xa1: {  	(v2sf) =	vpush v2, $0xD  }
0xa2: {  	v0 =	vadd.f32 v1, v0;
	(v2sf) =	vpush v2, $0xE  }
0xa3: {  	s26 =	spop (v2sf);
	(v2sf) =	vpush v2, $0xF  }
0xa4: {  	s28 =	spop (v2sf);
	(v2sf) =	vpush v0, $0x0  }
0xa5: {  	s29 =	spop (v2sf);
	(v2sf) =	vpush v0, $0x1  }
0xa6: {  	s7 =	spop (v2sf)  }
0xa7: {  	(v2sf) =	vpush v0, $0x2;
	s8 =	spop (v2sf)  }
0xa8: {  	s9 =	spop (v2sf)  }
0xa9: {  	(v2sf) =	vpush v0, $0x3;
	s10 =	spop (v2sf)  }
0xaa: {  	s11 =	spop (v2sf)  }
0xab: {  	(v2sf) =	vpush v0, $0x4;
	s12 =	spop (v2sf)  }
0xac: {  	s13 =	spop (v2sf)  }
0xad: {  	(v2sf) =	vpush v0, $0x5;
	s14 =	spop (v2sf)  }
0xae: {  	s15 =	spop (v2sf)  }
0xaf: {  	(v2sf) =	vpush v0, $0x6;
	s16 =	spop (v2sf)  }
0xb0: {  	s17 =	spop (v2sf)  }
0xb1: {  	(v2sf) =	vpush v0, $0x7;
	s18 =	spop (v2sf)  }
0xb2: {  	s4 =	sadd.f32 s28, s26;
	s19 =	spop (v2sf)  }
0xb3: {  	(v2sf) =	vpush v0, $0x8;
	s30 =	spop (v2sf)  }
0xb4: {  	s4 =	sadd.f32 s4, s29;
	s31 =	spop (v2sf)  }
0xb5: {  	(v2sf) =	vpush v0, $0x9;
	s5 =	sadd.f32 s31, s30  }
0xb6: {  	s4 =	sadd.f32 s4, s7;
	s7 =	spop (v2sf)  }
0xb7: {  	(v2sf) =	vpush v0, $0xA;
	s5 =	sadd.f32 s5, s7  }
0xb8: {  	s4 =	sadd.f32 s4, s8;
	s8 =	spop (v2sf)  }
0xb9: {  	(v2sf) =	vpush v0, $0xB;
	s5 =	sadd.f32 s5, s8  }
0xba: {  	s4 =	sadd.f32 s4, s9;
	s9 =	spop (v2sf)  }
0xbb: {  	(v2sf) =	vpush v0, $0xC;
	s5 =	sadd.f32 s5, s9  }
0xbc: {  	s4 =	sadd.f32 s4, s10;
	s10 =	spop (v2sf)  }
0xbd: {  	(v2sf) =	vpush v0, $0xD;
	s5 =	sadd.f32 s5, s10  }
0xbe: {  	s4 =	sadd.f32 s4, s11;
	s20 =	spop (v2sf)  }
0xbf: {  	(v2sf) =	vpush v0, $0xE;
	s5 =	sadd.f32 s5, s20  }
0xc0: {  	s4 =	sadd.f32 s4, s12;
	s21 =	spop (v2sf)  }
0xc1: {  	(v2sf) =	vpush v0, $0xF;
	s5 =	sadd.f32 s5, s21  }
0xc2: {  	s4 =	sadd.f32 s4, s13;
	s22 =	spop (v2sf)  }
0xc3: {  	s5 =	sadd.f32 s5, s22  }
0xc4: {  	s4 =	sadd.f32 s4, s14;
	s23 =	spop (v2sf)  }
0xc5: {  	s5 =	sadd.f32 s5, s23  }
0xc6: {  	s4 =	sadd.f32 s4, s15;
	s24 =	spop (v2sf)  }
0xc7: {  	s5 =	sadd.f32 s5, s24  }
0xc8: {  	s4 =	sadd.f32 s4, s16;
	s25 =	spop (v2sf)  }
0xc9: {  	s5 =	sadd.f32 s5, s25  }
0xca: {  	s4 =	sadd.f32 s4, s17;
	s26 =	spop (v2sf)  }
0xcb: {  	s5 =	sadd.f32 s5, s26  }
0xcc: {  	s4 =	sadd.f32 s4, s18;
	s28 =	spop (v2sf)  }
0xcd: {  	s5 =	sadd.f32 s5, s28  }
0xce: {  	s4 =	sadd.f32 s4, s19;
	s29 =	spop (v2sf)  }
0xcf: {  	v62 =	vld [tilespmem:$0xD80];
	s5 =	sadd.f32 s5, s29  }
0xd0: {  	s30 =	spop (v2sf)  }
0xd1: {  	vm0 =	vcmask $0x300;
	v63 =	vmov s4;
	s5 =	sadd.f32 s5, s30  }
0xd2: {  	vm15 =	vcmask $0x704;
	v1 =	vnsel vm0, $0x0, v63  }
0xd3: {  	v1 =	vsel vm15, s5, v1  }
0xd4: {  	v0 =	vadd.f32 v1, v62;
	_ =	sdelay $0x1  }
0xd5: {  	s31 =	simm.s32 $0xE00;
	[tilespmem:$0xE00] =	vst v0  }
0xd6: {  	[hbm4b:s1+s3] =	stream.linear.scatter [tilespmem:s31], [sflag:$0x1], $0x2, $0x38;
	[tilespmem:$0xE80] =	vst v63  }
0xd7: {  	_ =	swait.ge [sflag:s2], $0x2  }
0xd8: {  	[sflag:s2] =	ssyncset.done $0x0  }
0xd9: {  	[sflag:s2] =	ssyncadd.s32 $0xFFFFFFFE  }
0xda: {  	_ =	sfence.sel $0x180000  }
0xdb: {  	[bflag:$0x0] =	sbarrier.arrive $0xFFFF  }
0xdc: {  	_ =	strace $0x9000004A  }
0xdd: {  	s0 =	sadd.s32 $0x100000, s0;
	[bflag:$0x2] =	sbarrier.arrive $0xFFFF  }
0xde: {  	[sflag:s0] =	ssyncadd.tile.s32 $0x1;
	_ =	shalt  }
.Lfunc_end2:
_tile_overlayer_lowered:
.L_overlay_start_2:
0xdf: {  	(tag) =	ssettag $0x2  }
0xe0: {  	s0 =	rddreg [dreg:$0x0];
	s2 =	stileid.u32  }
0xe1: {  	s1 =	rddreg [dreg:$0x1];
	p0 =	sne.s32 s2, $0x0  }
0xe2: {  	s3 =	rddreg [dreg:$0x2];
	[bflag:$0x3] =	sbarrier.arrive $0xFFFF;
	s2 =	simm.s32 @!p0 $0x1C01  }
0xe3: {  	[timem:s3], [sflag:s2] =	dma.local @!p0 [hbm:s0], s1  }
0xe4: {  	s0 =	simm.s32 @!p0 $0x1  }
0xe5: {  	_ =	swait.ge @!p0 [sflag:s0], s1  }
0xe6: {  	s1 =	ssub.s32 @!p0 $0x0, s1;
	[sflag:s0] =	ssyncset.done @!p0 $0x0  }
0xe7: {  	[sflag:s0] =	ssyncadd.s32 @!p0 s1  }
0xe8: {  	[bflag:$0x3] =	sbarrier.arrive $0xFFFF  }
0xe9: {  	_ =	shalt  }

</sc_bundles>
